<compile_context>
chip_gen: v7x
topology: tpu7x:2x2x1
jax: 0.10.2.dev20260603
libtpu: 0.0.44.dev20260713+nightly
codegen_flags: <defaults>
</compile_context>

<pallas_src>
import functools

import jax
import jax.numpy as jnp
from jax import lax
from jax.experimental import pallas as pl
from jax.experimental.pallas import tpu as pltpu
from jax.experimental.pallas import tpu_sc as plsc

N = 10000
D = 128
H = 8
C = 16
FF = 512

NP = 10240
NW = 32
K = 128
E_TOT = 320000
RPW = 80
NCH = RPW * NW
E_PAD = NCH * K

RB1 = 2048
RB5 = 1024
RPT = NP // 16

_SC_PARAMS = pltpu.CompilerParams(needs_layout_passes=False,
                                  use_tc_tiling_on_sc=False)
_SC_MESH = plsc.VectorSubcoreMesh(core_axis_name="c", subcore_axis_name="s",
                                  num_cores=2, num_subcores=16)


def _dense_in_body(x_ref, w_ref, a_ref, xw_ref, ab_ref):
    xw = jnp.dot(x_ref[...], w_ref[...], preferred_element_type=jnp.float32)
    xw_ref[...] = xw
    ab_ref[...] = jnp.dot(xw, a_ref[...], preferred_element_type=jnp.float32)


def _dense_in(x_p, w_gat, a_cat):
    return pl.pallas_call(
        _dense_in_body,
        grid=(NP // RB1,),
        in_specs=[
            pl.BlockSpec((RB1, D), lambda i: (i, 0)),
            pl.BlockSpec((D, D), lambda i: (0, 0)),
            pl.BlockSpec((D, 2 * H), lambda i: (0, 0)),
        ],
        out_specs=[
            pl.BlockSpec((RB1, D), lambda i: (i, 0)),
            pl.BlockSpec((RB1, 2 * H), lambda i: (i, 0)),
        ],
        out_shape=[
            jax.ShapeDtypeStruct((NP, D), jnp.float32),
            jax.ShapeDtypeStruct((NP, 2 * H), jnp.float32),
        ],
    )(x_p, w_gat, a_cat)


def _edge_f_body(src_hbm, dst_hbm, ab_hbm, xw_hbm, zer8_hbm, zer128_hbm,
                 den_hbm, out_hbm,
                 srcv, dstv, absrc, abdst, s3, xwr,
                 gsa, gsb, gsx, sdn, son, sden, sout):
    cid = lax.axis_index("c")
    sid = lax.axis_index("s")
    wid = sid * 2 + cid
    pltpu.sync_copy(zer8_hbm.at[pl.ds(sid * RPT, RPT)],
                    sden.at[pl.ds(sid * RPT, RPT)])
    pltpu.sync_copy(zer128_hbm.at[pl.ds(sid * RPT, RPT)],
                    sout.at[pl.ds(sid * RPT, RPT)])
    plsc.subcore_barrier()

    iota = lax.iota(jnp.int32, 16)
    c_vec = jnp.bitwise_and(iota, 7)
    r0 = jnp.right_shift(iota, 3)
    row0 = wid * RPW

    def fetch(g, b):
        pltpu.sync_copy(src_hbm.at[pl.ds(row0 + g, 1)], srcv[b])
        pltpu.sync_copy(dst_hbm.at[pl.ds(row0 + g, 1)], dstv[b])
        pltpu.async_copy(ab_hbm.at[srcv[b].at[0]], absrc[b], gsa[b])
        pltpu.async_copy(ab_hbm.at[dstv[b].at[0]], abdst[b], gsb[b])
        pltpu.async_copy(xw_hbm.at[srcv[b].at[0]], xwr[b], gsx[b])

    def wait_fetch(b):
        pltpu.make_async_copy(ab_hbm.at[srcv[b].at[0]], absrc[b], gsa[b]).wait()
        pltpu.make_async_copy(ab_hbm.at[dstv[b].at[0]], abdst[b], gsb[b]).wait()
        pltpu.make_async_copy(xw_hbm.at[srcv[b].at[0]], xwr[b], gsx[b]).wait()

    def drain_out(b):
        pltpu.make_async_copy(s3[b], sden.at[dstv[b].at[0]], sdn[b]).wait()
        pltpu.make_async_copy(xwr[b], sout.at[dstv[b].at[0]], son[b]).wait()

    fetch(0, 0)

    def outer(i2, carry):
        for b in (0, 1):
            g = i2 * 2 + b
            nb = 1 - b
            if b == 0:
                @pl.when(i2 > 0)
                def _():
                    drain_out(nb)
            else:
                drain_out(nb)
            if b == 0:
                fetch(g + 1, nb)
            else:
                @pl.when(i2 < RPW // 2 - 1)
                def _():
                    fetch(g + 1, nb)
            wait_fetch(b)
            abs_b, abd_b, s3_b, xwr_b = absrc[b], abdst[b], s3[b], xwr[b]

            def logits(i, c2, abs_b=abs_b, abd_b=abd_b, s3_b=s3_b):
                r_vec = r0 + i * 2
                ea = (plsc.load_gather(abs_b, [r_vec, c_vec])
                      + plsc.load_gather(abd_b, [r_vec, c_vec + 8]))
                el = jnp.where(ea >= 0.0, ea, 0.2 * ea)
                plsc.store_scatter(s3_b, [r_vec, c_vec], jnp.exp(el))
                return c2

            lax.fori_loop(0, K * H // 16, logits, 0)
            pltpu.async_copy(s3[b], sden.at[dstv[b].at[0]], sdn[b], add=True)

            def scale(kk, c2, s3_b=s3_b, xwr_b=xwr_b):
                rk = jnp.full((16,), kk, jnp.int32)
                for h in range(H):
                    bc = plsc.load_gather(
                        s3_b, [rk, jnp.full((16,), h, jnp.int32)])
                    colh = iota + h * C
                    v = plsc.load_gather(xwr_b, [rk, colh]) * bc
                    plsc.store_scatter(xwr_b, [rk, colh], v)
                return c2

            lax.fori_loop(0, K, scale, 0)
            pltpu.async_copy(xwr[b], sout.at[dstv[b].at[0]], son[b], add=True)
        return carry

    lax.fori_loop(0, RPW // 2, outer, 0)
    drain_out(1)
    plsc.subcore_barrier()
    pltpu.sync_copy(sden.at[pl.ds(sid * RPT, RPT)],
                    den_hbm.at[pl.ds(cid * NP + sid * RPT, RPT)])
    pltpu.sync_copy(sout.at[pl.ds(sid * RPT, RPT)],
                    out_hbm.at[pl.ds(cid * NP + sid * RPT, RPT)])


_edge_f = functools.partial(
    pl.kernel,
    out_type=[
        jax.ShapeDtypeStruct((2 * NP, H), jnp.float32),
        jax.ShapeDtypeStruct((2 * NP, D), jnp.float32),
    ],
    mesh=_SC_MESH,
    compiler_params=_SC_PARAMS,
    scratch_types=[
        [pltpu.VMEM((1, K), jnp.int32) for _ in range(2)],
        [pltpu.VMEM((1, K), jnp.int32) for _ in range(2)],
        [pltpu.VMEM((K, 2 * H), jnp.float32) for _ in range(2)],
        [pltpu.VMEM((K, 2 * H), jnp.float32) for _ in range(2)],
        [pltpu.VMEM((K, H), jnp.float32) for _ in range(2)],
        [pltpu.VMEM((K, D), jnp.float32) for _ in range(2)],
        [pltpu.SemaphoreType.DMA for _ in range(2)],
        [pltpu.SemaphoreType.DMA for _ in range(2)],
        [pltpu.SemaphoreType.DMA for _ in range(2)],
        [pltpu.SemaphoreType.DMA for _ in range(2)],
        [pltpu.SemaphoreType.DMA for _ in range(2)],
        pltpu.VMEM_SHARED((NP, H), jnp.float32),
        pltpu.VMEM_SHARED((NP, D), jnp.float32),
    ],
)(_edge_f_body)


def _dense_out_body(x_ref, p0_ref, p1_ref, d0_ref, d1_ref, xw_ref, ab_ref,
                    ex_ref, bg_ref, w1_ref, b1_ref, w2_ref, b2_ref,
                    g1_ref, bt1_ref, g2_ref, bt2_ref, out_ref):
    ab = ab_ref[...]
    ea = ab[:, :H] + ab[:, H:]
    s_self = jnp.exp(jnp.where(ea >= 0.0, ea, 0.2 * ea))
    s128 = jnp.dot(s_self, ex_ref[...], preferred_element_type=jnp.float32)
    num = p0_ref[...] + p1_ref[...] + s128 * xw_ref[...]
    r8 = 1.0 / (d0_ref[...] + d1_ref[...] + s_self + 1e-16)
    r128 = jnp.dot(r8, ex_ref[...], preferred_element_type=jnp.float32)
    h_gat = num * r128 + bg_ref[...]
    t = x_ref[...] + h_gat
    mu = jnp.mean(t, axis=-1, keepdims=True)
    var = jnp.mean((t - mu) ** 2, axis=-1, keepdims=True)
    h1 = (t - mu) * lax.rsqrt(var + 1e-5) * g1_ref[...] + bt1_ref[...]
    m = jnp.dot(h1, w1_ref[...], preferred_element_type=jnp.float32) + b1_ref[...]
    m = jnp.maximum(m, 0.0)
    hf = jnp.dot(m, w2_ref[...], preferred_element_type=jnp.float32) + b2_ref[...]
    t2 = h1 + hf
    mu2 = jnp.mean(t2, axis=-1, keepdims=True)
    var2 = jnp.mean((t2 - mu2) ** 2, axis=-1, keepdims=True)
    out_ref[...] = ((t2 - mu2) * lax.rsqrt(var2 + 1e-5) * g2_ref[...]
                    + bt2_ref[...])


def _dense_out(x_p, parts, den, xw, ab, expand, b_gat, w1, b1, w2, b2,
               g1, bt1, g2, bt2):
    nb = NP // RB5
    full = lambda s: pl.BlockSpec(s, lambda i: (0, 0))
    return pl.pallas_call(
        _dense_out_body,
        grid=(nb,),
        in_specs=[
            pl.BlockSpec((RB5, D), lambda i: (i, 0)),
            pl.BlockSpec((RB5, D), lambda i: (i, 0)),
            pl.BlockSpec((RB5, D), lambda i: (i + nb, 0)),
            pl.BlockSpec((RB5, H), lambda i: (i, 0)),
            pl.BlockSpec((RB5, H), lambda i: (i + nb, 0)),
            pl.BlockSpec((RB5, D), lambda i: (i, 0)),
            pl.BlockSpec((RB5, 2 * H), lambda i: (i, 0)),
            full((H, D)),
            full((1, D)), full((D, FF)), full((1, FF)),
            full((FF, D)), full((1, D)), full((1, D)),
            full((1, D)), full((1, D)), full((1, D)),
        ],
        out_specs=pl.BlockSpec((RB5, D), lambda i: (i, 0)),
        out_shape=jax.ShapeDtypeStruct((NP, D), jnp.float32),
    )(x_p, parts, parts, den, den, xw, ab, expand, b_gat.reshape(1, D), w1,
      b1.reshape(1, FF), w2, b2.reshape(1, D), g1.reshape(1, D),
      bt1.reshape(1, D), g2.reshape(1, D), bt2.reshape(1, D))


def kernel(x, edge_index, W_gat, att_src, att_dst, b_gat, W1, b1, W2, b2,
           g1, bt1, g2, bt2):
    n = x.shape[0]
    x_p = jnp.zeros((NP, D), jnp.float32).at[:n].set(x)

    n_pad = E_PAD - E_TOT
    pad_src = jnp.full((n_pad,), n, edge_index.dtype)
    pad_dst = (n + jnp.arange(n_pad, dtype=edge_index.dtype) % (NP - n))
    src = jnp.concatenate([edge_index[0], pad_src]).astype(jnp.int32).reshape(NCH, K)
    dst = jnp.concatenate([edge_index[1], pad_dst]).astype(jnp.int32).reshape(NCH, K)

    eye = jnp.eye(H, dtype=jnp.float32)
    a_s = (att_src[:, :, None] * eye[:, None, :]).reshape(D, H)
    a_d = (att_dst[:, :, None] * eye[:, None, :]).reshape(D, H)
    a_cat = jnp.concatenate([a_s, a_d], axis=1)
    expand = jnp.repeat(eye, C, axis=1)

    xw, ab = _dense_in(x_p, W_gat, a_cat)
    zer8 = jnp.zeros((NP, H), jnp.float32)
    zer128 = jnp.zeros((NP, D), jnp.float32)

    den, parts = _edge_f(src, dst, ab, xw, zer8, zer128)

    out = _dense_out(x_p, parts, den, xw, ab, expand, b_gat, W1, b1, W2, b2,
                     g1, bt1, g2, bt2)
    return out[:n]

# --- scband reference (transcript-rebuilt; emitter-appended) ---
"""Pipeline reference for scband-vencoder-layer-py-g-68951404970536 (READ-ONLY COPY).

The authoritative reference and input builder live on the scoring server;
editing this copy changes nothing except your own understanding.
"""

import jax, jax.numpy as jnp
import numpy as np

N = 10000
E = 320000
D = 128
H = 8
C = 16  # D // H
FF = 512


def layer_norm(x, gamma, beta, eps=1e-5):
    mu = jnp.mean(x, axis=-1, keepdims=True)
    var = jnp.var(x, axis=-1, keepdims=True)
    return (x - mu) / jnp.sqrt(var + eps) * gamma + beta


def setup_inputs(seed: int = 0) -> dict:
    key = jax.random.key(seed)
    ks = jax.random.split(key, 16)
    x = jax.random.normal(ks[0], (N, D), dtype=jnp.float32)
    edge_index = jax.random.randint(ks[1], (2, E), 0, N)
    s = 1.0 / np.sqrt(D)
    W_gat = jax.random.normal(ks[2], (D, H * C), dtype=jnp.float32) * s
    att_src = jax.random.normal(ks[3], (H, C), dtype=jnp.float32) * s
    att_dst = jax.random.normal(ks[4], (H, C), dtype=jnp.float32) * s
    b_gat = jnp.zeros((H * C,), dtype=jnp.float32)
    W1 = jax.random.normal(ks[5], (D, FF), dtype=jnp.float32) * s
    b1 = jnp.zeros((FF,), dtype=jnp.float32)
    W2 = jax.random.normal(ks[6], (FF, D), dtype=jnp.float32) * (1.0 / np.sqrt(FF))
    b2 = jnp.zeros((D,), dtype=jnp.float32)
    g1 = jnp.ones((D,), dtype=jnp.float32)
    bt1 = jnp.zeros((D,), dtype=jnp.float32)
    g2 = jnp.ones((D,), dtype=jnp.float32)
    bt2 = jnp.zeros((D,), dtype=jnp.float32)
    return {"x": x, "edge_index": edge_index, "W_gat": W_gat, "att_src": att_src,
            "att_dst": att_dst, "b_gat": b_gat, "W1": W1, "b1": b1, "W2": W2,
            "b2": b2, "g1": g1, "bt1": bt1, "g2": g2, "bt2": bt2}


def reference(x, edge_index, W_gat, att_src, att_dst, b_gat, W1, b1, W2, b2, g1, bt1, g2, bt2):
    n = x.shape[0]
    # PyG GATConv adds self-loops by default
    ar = jnp.arange(n, dtype=edge_index.dtype)
    ei = jnp.concatenate([edge_index, jnp.stack([ar, ar])], axis=1)
    src, dst = ei[0], ei[1]
    xw = (x @ W_gat).reshape(n, H, C)
    a_src = jnp.sum(xw * att_src[None, :, :], axis=-1)  # [N, H]
    a_dst = jnp.sum(xw * att_dst[None, :, :], axis=-1)  # [N, H]
    e = a_src[src] + a_dst[dst]                          # [E', H]
    e = jax.nn.leaky_relu(e, 0.2)
    e_max = jax.ops.segment_max(e, dst, num_segments=n)
    e_max = jnp.where(jnp.isfinite(e_max), e_max, 0.0)
    ex = jnp.exp(e - e_max[dst])
    denom = jax.ops.segment_sum(ex, dst, num_segments=n)
    alpha = ex / (denom[dst] + 1e-16)                    # softmax over incoming edges
    msgs = xw[src] * alpha[:, :, None]                   # [E', H, C]
    h_gat = jax.ops.segment_sum(msgs, dst, num_segments=n).reshape(n, H * C) + b_gat
    # dropout is identity in eval mode
    h = layer_norm(x + h_gat, g1, bt1)
    h_ff = jax.nn.relu(h @ W1 + b1) @ W2 + b2
    h = layer_norm(h + h_ff, g2, bt2)
    return h

if __name__ == "__main__":
    import jax
    _d = setup_inputs()
    print(jax.jit(kernel)(*tuple(_d.values())))

</pallas_src>

<mosaic_0001>
#map = affine_map<(d0, d1) -> (0, 0)>
module attributes {stable_mosaic.version = 14 : i64} {
  func.func @_edge_f_body(%arg0: i32, %arg1: i32, %arg2: memref<2560x128xi32, #tpu.memory_space<hbm>>, %arg3: memref<2560x128xi32, #tpu.memory_space<hbm>>, %arg4: memref<10240x16xf32, #tpu.memory_space<hbm>>, %arg5: memref<10240x128xf32, #tpu.memory_space<hbm>>, %arg6: memref<10240x8xf32, #tpu.memory_space<hbm>>, %arg7: memref<10240x128xf32, #tpu.memory_space<hbm>>, %arg8: memref<20480x8xf32, #tpu.memory_space<hbm>>, %arg9: memref<20480x128xf32, #tpu.memory_space<hbm>>, %arg10: memref<1x128xi32, #tpu.memory_space<vmem>>, %arg11: memref<1x128xi32, #tpu.memory_space<vmem>>, %arg12: memref<1x128xi32, #tpu.memory_space<vmem>>, %arg13: memref<1x128xi32, #tpu.memory_space<vmem>>, %arg14: memref<128x16xf32, #tpu.memory_space<vmem>>, %arg15: memref<128x16xf32, #tpu.memory_space<vmem>>, %arg16: memref<128x16xf32, #tpu.memory_space<vmem>>, %arg17: memref<128x16xf32, #tpu.memory_space<vmem>>, %arg18: memref<128x8xf32, #tpu.memory_space<vmem>>, %arg19: memref<128x8xf32, #tpu.memory_space<vmem>>, %arg20: memref<128x128xf32, #tpu.memory_space<vmem>>, %arg21: memref<128x128xf32, #tpu.memory_space<vmem>>, %arg22: memref<!tpu.dma_semaphore, #tpu.memory_space<semaphore_mem>>, %arg23: memref<!tpu.dma_semaphore, #tpu.memory_space<semaphore_mem>>, %arg24: memref<!tpu.dma_semaphore, #tpu.memory_space<semaphore_mem>>, %arg25: memref<!tpu.dma_semaphore, #tpu.memory_space<semaphore_mem>>, %arg26: memref<!tpu.dma_semaphore, #tpu.memory_space<semaphore_mem>>, %arg27: memref<!tpu.dma_semaphore, #tpu.memory_space<semaphore_mem>>, %arg28: memref<!tpu.dma_semaphore, #tpu.memory_space<semaphore_mem>>, %arg29: memref<!tpu.dma_semaphore, #tpu.memory_space<semaphore_mem>>, %arg30: memref<!tpu.dma_semaphore, #tpu.memory_space<semaphore_mem>>, %arg31: memref<!tpu.dma_semaphore, #tpu.memory_space<semaphore_mem>>, %arg32: memref<10240x8xf32, #tpu.memory_space<vmem_shared>>, %arg33: memref<10240x128xf32, #tpu.memory_space<vmem_shared>>) attributes {dimension_semantics = [#tpu.dimension_semantics<core_parallel>, #tpu.dimension_semantics<subcore_parallel>], iteration_bounds = array<i64: 2, 16>, scalar_prefetch = 0 : i64, scratch_operands = 24 : i64, tpu.core_type = #tpu.core_type<sc_vector_subcore>, window_params = [{transform_indices = #map}, {transform_indices = #map}, {transform_indices = #map}, {transform_indices = #map}, {transform_indices = #map}, {transform_indices = #map}, {transform_indices = #map}, {transform_indices = #map}]} {
    %mul3A = arith.constant 2 : i32
    %mul3A_0 = arith.muli %arg1, %mul3A : i32
    %add3A = arith.addi %mul3A_0, %arg0 : i32
    %mul3A_1 = arith.constant 640 : i32
    %mul3A_2 = arith.muli %arg1, %mul3A_1 : i32
    %mul3A_3 = arith.constant 640 : i32
    %mul3A_4 = arith.muli %arg1, %mul3A_3 : i32
    "tpu.region"() ({
      %run_scoped3A = tpu.sem_alloc : memref<!tpu.dma_semaphore, #tpu.memory_space<semaphore_mem>>
      %dma_start3A_72 = arith.constant 0 : i32
      %dma_start3A_73 = tpu.memref_slice %arg32[%mul3A_4, %dma_start3A_72] : memref<10240x8xf32, #tpu.memory_space<vmem_shared>> -> memref<640x8xf32, #tpu.memory_space<vmem_shared>>
      %dma_start3A_74 = arith.constant 0 : i32
      %dma_start3A_75 = tpu.memref_slice %arg6[%mul3A_2, %dma_start3A_74] : memref<10240x8xf32, #tpu.memory_space<hbm>> -> memref<640x8xf32, #tpu.memory_space<hbm>>
      tpu.enqueue_dma source(%dma_start3A_75 : memref<640x8xf32, #tpu.memory_space<hbm>>) target(%dma_start3A_73 : memref<640x8xf32, #tpu.memory_space<vmem_shared>>) target_semaphore(%run_scoped3A : memref<!tpu.dma_semaphore, #tpu.memory_space<semaphore_mem>>)
      %dma_wait3A_76 = arith.constant 0 : i32
      %dma_wait3A_77 = tpu.memref_slice %arg32[%mul3A_4, %dma_wait3A_76] : memref<10240x8xf32, #tpu.memory_space<vmem_shared>> -> memref<640x8xf32, #tpu.memory_space<vmem_shared>>
      %dma_wait3A_78 = arith.constant 0 : i32
      %dma_wait3A_79 = tpu.memref_slice %arg6[%mul3A_2, %dma_wait3A_78] : memref<10240x8xf32, #tpu.memory_space<hbm>> -> memref<640x8xf32, #tpu.memory_space<hbm>>
      tpu.wait_dma2 semaphore(%run_scoped3A : memref<!tpu.dma_semaphore, #tpu.memory_space<semaphore_mem>>) src(%dma_wait3A_79 : memref<640x8xf32, #tpu.memory_space<hbm>>) dst(%dma_wait3A_77 : memref<640x8xf32, #tpu.memory_space<vmem_shared>>)
      tpu.yield
    }) : () -> ()
    %mul3A_5 = arith.constant 640 : i32
    %mul3A_6 = arith.muli %arg1, %mul3A_5 : i32
    %mul3A_7 = arith.constant 640 : i32
    %mul3A_8 = arith.muli %arg1, %mul3A_7 : i32
    "tpu.region"() ({
      %run_scoped3A = tpu.sem_alloc : memref<!tpu.dma_semaphore, #tpu.memory_space<semaphore_mem>>
      %dma_start3A_72 = arith.constant 0 : i32
      %dma_start3A_73 = tpu.memref_slice %arg33[%mul3A_8, %dma_start3A_72] : memref<10240x128xf32, #tpu.memory_space<vmem_shared>> -> memref<640x128xf32, #tpu.memory_space<vmem_shared>>
      %dma_start3A_74 = arith.constant 0 : i32
      %dma_start3A_75 = tpu.memref_slice %arg7[%mul3A_6, %dma_start3A_74] : memref<10240x128xf32, #tpu.memory_space<hbm>> -> memref<640x128xf32, #tpu.memory_space<hbm>>
      tpu.enqueue_dma source(%dma_start3A_75 : memref<640x128xf32, #tpu.memory_space<hbm>>) target(%dma_start3A_73 : memref<640x128xf32, #tpu.memory_space<vmem_shared>>) target_semaphore(%run_scoped3A : memref<!tpu.dma_semaphore, #tpu.memory_space<semaphore_mem>>)
      %dma_wait3A_76 = arith.constant 0 : i32
      %dma_wait3A_77 = tpu.memref_slice %arg33[%mul3A_8, %dma_wait3A_76] : memref<10240x128xf32, #tpu.memory_space<vmem_shared>> -> memref<640x128xf32, #tpu.memory_space<vmem_shared>>
      %dma_wait3A_78 = arith.constant 0 : i32
      %dma_wait3A_79 = tpu.memref_slice %arg7[%mul3A_6, %dma_wait3A_78] : memref<10240x128xf32, #tpu.memory_space<hbm>> -> memref<640x128xf32, #tpu.memory_space<hbm>>
      tpu.wait_dma2 semaphore(%run_scoped3A : memref<!tpu.dma_semaphore, #tpu.memory_space<semaphore_mem>>) src(%dma_wait3A_79 : memref<640x128xf32, #tpu.memory_space<hbm>>) dst(%dma_wait3A_77 : memref<640x128xf32, #tpu.memory_space<vmem_shared>>)
      tpu.yield
    }) : () -> ()
    %barrier3A = arith.constant 0 : index
    tpu.barrier barrier_id(%barrier3A)
    %iota3A = tpu.iota {dimensions = array<i32: 0>} : vector<16xi32>
    %and3A = arith.constant 7 : i32
    %and3A_9 = vector.broadcast %and3A : i32 to vector<16xi32>
    %and3A_10 = arith.andi %iota3A, %and3A_9 : vector<16xi32>
    %shift_right_arithmetic3A = arith.constant 3 : i32
    %shift_right_arithmetic3A_11 = vector.broadcast %shift_right_arithmetic3A : i32 to vector<16xi32>
    %shift_right_arithmetic3A_12 = arith.shrsi %iota3A, %shift_right_arithmetic3A_11 : vector<16xi32>
    %mul3A_13 = arith.constant 80 : i32
    %mul3A_14 = arith.muli %add3A, %mul3A_13 : i32
    %add3A_15 = arith.constant 0 : i32
    %add3A_16 = arith.addi %mul3A_14, %add3A_15 : i32
    "tpu.region"() ({
      %run_scoped3A = tpu.sem_alloc : memref<!tpu.dma_semaphore, #tpu.memory_space<semaphore_mem>>
      %dma_start3A_72 = arith.constant 0 : i32
      %dma_start3A_73 = tpu.memref_slice %arg2[%add3A_16, %dma_start3A_72] : memref<2560x128xi32, #tpu.memory_space<hbm>> -> memref<1x128xi32, #tpu.memory_space<hbm>>
      %dma_start3A_74 = arith.constant 0 : i32
      %dma_start3A_75 = tpu.memref_slice %arg2[%add3A_16, %dma_start3A_74] : memref<2560x128xi32, #tpu.memory_space<hbm>> -> memref<1x128xi32, #tpu.memory_space<hbm>>
      tpu.enqueue_dma source(%dma_start3A_75 : memref<1x128xi32, #tpu.memory_space<hbm>>) target(%arg10 : memref<1x128xi32, #tpu.memory_space<vmem>>) target_semaphore(%run_scoped3A : memref<!tpu.dma_semaphore, #tpu.memory_space<semaphore_mem>>)
      %dma_wait3A_76 = arith.constant 0 : i32
      %dma_wait3A_77 = tpu.memref_slice %arg2[%add3A_16, %dma_wait3A_76] : memref<2560x128xi32, #tpu.memory_space<hbm>> -> memref<1x128xi32, #tpu.memory_space<hbm>>
      %dma_wait3A_78 = arith.constant 0 : i32
      %dma_wait3A_79 = tpu.memref_slice %arg2[%add3A_16, %dma_wait3A_78] : memref<2560x128xi32, #tpu.memory_space<hbm>> -> memref<1x128xi32, #tpu.memory_space<hbm>>
      tpu.wait_dma2 semaphore(%run_scoped3A : memref<!tpu.dma_semaphore, #tpu.memory_space<semaphore_mem>>) src(%dma_wait3A_79 : memref<1x128xi32, #tpu.memory_space<hbm>>) dst(%arg10 : memref<1x128xi32, #tpu.memory_space<vmem>>)
      tpu.yield
    }) : () -> ()
    %add3A_17 = arith.constant 0 : i32
    %add3A_18 = arith.addi %mul3A_14, %add3A_17 : i32
    "tpu.region"() ({
      %run_scoped3A = tpu.sem_alloc : memref<!tpu.dma_semaphore, #tpu.memory_space<semaphore_mem>>
      %dma_start3A_72 = arith.constant 0 : i32
      %dma_start3A_73 = tpu.memref_slice %arg3[%add3A_18, %dma_start3A_72] : memref<2560x128xi32, #tpu.memory_space<hbm>> -> memref<1x128xi32, #tpu.memory_space<hbm>>
      %dma_start3A_74 = arith.constant 0 : i32
      %dma_start3A_75 = tpu.memref_slice %arg3[%add3A_18, %dma_start3A_74] : memref<2560x128xi32, #tpu.memory_space<hbm>> -> memref<1x128xi32, #tpu.memory_space<hbm>>
      tpu.enqueue_dma source(%dma_start3A_75 : memref<1x128xi32, #tpu.memory_space<hbm>>) target(%arg12 : memref<1x128xi32, #tpu.memory_space<vmem>>) target_semaphore(%run_scoped3A : memref<!tpu.dma_semaphore, #tpu.memory_space<semaphore_mem>>)
      %dma_wait3A_76 = arith.constant 0 : i32
      %dma_wait3A_77 = tpu.memref_slice %arg3[%add3A_18, %dma_wait3A_76] : memref<2560x128xi32, #tpu.memory_space<hbm>> -> memref<1x128xi32, #tpu.memory_space<hbm>>
      %dma_wait3A_78 = arith.constant 0 : i32
      %dma_wait3A_79 = tpu.memref_slice %arg3[%add3A_18, %dma_wait3A_78] : memref<2560x128xi32, #tpu.memory_space<hbm>> -> memref<1x128xi32, #tpu.memory_space<hbm>>
      tpu.wait_dma2 semaphore(%run_scoped3A : memref<!tpu.dma_semaphore, #tpu.memory_space<semaphore_mem>>) src(%dma_wait3A_79 : memref<1x128xi32, #tpu.memory_space<hbm>>) dst(%arg12 : memref<1x128xi32, #tpu.memory_space<vmem>>)
      tpu.yield
    }) : () -> ()
    %dma_start3A = arith.constant 0 : i32
    %dma_start3A_19 = arith.constant 0 : i32
    %dma_start3A_20 = tpu.memref_slice %arg10[%dma_start3A, %dma_start3A_19] : memref<1x128xi32, #tpu.memory_space<vmem>> -> memref<1x128xi32, #tpu.memory_space<vmem>>
    %dma_start3A_21 = tpu.memref_squeeze %dma_start3A_20 : memref<1x128xi32, #tpu.memory_space<vmem>> -> memref<128xi32, #tpu.memory_space<vmem>>
    %dma_start3A_22 = arith.constant 0 : i32
    %dma_start3A_23 = arith.constant 0 : i32
    %dma_start3A_24 = tpu.memref_slice %arg4[%dma_start3A_22, %dma_start3A_23] : memref<10240x16xf32, #tpu.memory_space<hbm>> -> memref<10240x16xf32, #tpu.memory_space<hbm>>
    tpu.enqueue_indirect_dma source(%dma_start3A_24 : memref<10240x16xf32, #tpu.memory_space<hbm>>) target(%arg14 : memref<128x16xf32, #tpu.memory_space<vmem>>) offsets(%dma_start3A_21 : memref<128xi32, #tpu.memory_space<vmem>>) semaphore(%arg22 : memref<!tpu.dma_semaphore, #tpu.memory_space<semaphore_mem>>)
    %dma_start3A_25 = arith.constant 0 : i32
    %dma_start3A_26 = arith.constant 0 : i32
    %dma_start3A_27 = tpu.memref_slice %arg12[%dma_start3A_25, %dma_start3A_26] : memref<1x128xi32, #tpu.memory_space<vmem>> -> memref<1x128xi32, #tpu.memory_space<vmem>>
    %dma_start3A_28 = tpu.memref_squeeze %dma_start3A_27 : memref<1x128xi32, #tpu.memory_space<vmem>> -> memref<128xi32, #tpu.memory_space<vmem>>
    %dma_start3A_29 = arith.constant 0 : i32
    %dma_start3A_30 = arith.constant 0 : i32
    %dma_start3A_31 = tpu.memref_slice %arg4[%dma_start3A_29, %dma_start3A_30] : memref<10240x16xf32, #tpu.memory_space<hbm>> -> memref<10240x16xf32, #tpu.memory_space<hbm>>
    tpu.enqueue_indirect_dma source(%dma_start3A_31 : memref<10240x16xf32, #tpu.memory_space<hbm>>) target(%arg16 : memref<128x16xf32, #tpu.memory_space<vmem>>) offsets(%dma_start3A_28 : memref<128xi32, #tpu.memory_space<vmem>>) semaphore(%arg24 : memref<!tpu.dma_semaphore, #tpu.memory_space<semaphore_mem>>)
    %dma_start3A_32 = arith.constant 0 : i32
    %dma_start3A_33 = arith.constant 0 : i32
    %dma_start3A_34 = tpu.memref_slice %arg10[%dma_start3A_32, %dma_start3A_33] : memref<1x128xi32, #tpu.memory_space<vmem>> -> memref<1x128xi32, #tpu.memory_space<vmem>>
    %dma_start3A_35 = tpu.memref_squeeze %dma_start3A_34 : memref<1x128xi32, #tpu.memory_space<vmem>> -> memref<128xi32, #tpu.memory_space<vmem>>
    %dma_start3A_36 = arith.constant 0 : i32
    %dma_start3A_37 = arith.constant 0 : i32
    %dma_start3A_38 = tpu.memref_slice %arg5[%dma_start3A_36, %dma_start3A_37] : memref<10240x128xf32, #tpu.memory_space<hbm>> -> memref<10240x128xf32, #tpu.memory_space<hbm>>
    tpu.enqueue_indirect_dma source(%dma_start3A_38 : memref<10240x128xf32, #tpu.memory_space<hbm>>) target(%arg20 : memref<128x128xf32, #tpu.memory_space<vmem>>) offsets(%dma_start3A_35 : memref<128xi32, #tpu.memory_space<vmem>>) semaphore(%arg26 : memref<!tpu.dma_semaphore, #tpu.memory_space<semaphore_mem>>)
    %scan3A = arith.constant 0 : i32
    %scan3A_39 = arith.constant 0 : i32
    %scan3A_40 = arith.constant 40 : i32
    %scan3A_41 = arith.addi %scan3A_39, %scan3A_40 : i32
    %scan3A_42 = arith.constant 1 : i32
    scf.for %scan3A_72 = %scan3A_39 to %scan3A_41 step %scan3A_42  : i32 {
      %mul3A_73 = arith.constant 2 : i32
      %mul3A_74 = arith.muli %scan3A_72, %mul3A_73 : i32
      %add3A_75 = arith.constant 0 : i32
      %add3A_76 = arith.addi %mul3A_74, %add3A_75 : i32
      %gt3A = arith.constant 0 : i32
      %gt3A_77 = arith.cmpi sgt, %scan3A_72, %gt3A : i32
      %convert_element_type3A = arith.extui %gt3A_77 : i1 to i32
      %cond3A = arith.constant 0 : i32
      %cond3A_78 = arith.cmpi ne, %convert_element_type3A, %cond3A : i32
      scf.if %cond3A_78 {
        %dma_wait3A_220 = arith.constant 0 : i32
        %dma_wait3A_221 = arith.constant 0 : i32
        %dma_wait3A_222 = tpu.memref_slice %arg13[%dma_wait3A_220, %dma_wait3A_221] : memref<1x128xi32, #tpu.memory_space<vmem>> -> memref<1x128xi32, #tpu.memory_space<vmem>>
        %dma_wait3A_223 = tpu.memref_squeeze %dma_wait3A_222 : memref<1x128xi32, #tpu.memory_space<vmem>> -> memref<128xi32, #tpu.memory_space<vmem>>
        %dma_wait3A_224 = arith.constant 0 : i32
        %dma_wait3A_225 = arith.constant 0 : i32
        %dma_wait3A_226 = tpu.memref_slice %arg32[%dma_wait3A_224, %dma_wait3A_225] : memref<10240x8xf32, #tpu.memory_space<vmem_shared>> -> memref<10240x8xf32, #tpu.memory_space<vmem_shared>>
        tpu.wait_indirect_dma semaphore(%arg29 : memref<!tpu.dma_semaphore, #tpu.memory_space<semaphore_mem>>) src(%arg19 : memref<128x8xf32, #tpu.memory_space<vmem>>) dst(%dma_wait3A_226 : memref<10240x8xf32, #tpu.memory_space<vmem_shared>>)
        %dma_wait3A_227 = arith.constant 0 : i32
        %dma_wait3A_228 = arith.constant 0 : i32
        %dma_wait3A_229 = tpu.memref_slice %arg13[%dma_wait3A_227, %dma_wait3A_228] : memref<1x128xi32, #tpu.memory_space<vmem>> -> memref<1x128xi32, #tpu.memory_space<vmem>>
        %dma_wait3A_230 = tpu.memref_squeeze %dma_wait3A_229 : memref<1x128xi32, #tpu.memory_space<vmem>> -> memref<128xi32, #tpu.memory_space<vmem>>
        %dma_wait3A_231 = arith.constant 0 : i32
        %dma_wait3A_232 = arith.constant 0 : i32
        %dma_wait3A_233 = tpu.memref_slice %arg33[%dma_wait3A_231, %dma_wait3A_232] : memref<10240x128xf32, #tpu.memory_space<vmem_shared>> -> memref<10240x128xf32, #tpu.memory_space<vmem_shared>>
        tpu.wait_indirect_dma semaphore(%arg31 : memref<!tpu.dma_semaphore, #tpu.memory_space<semaphore_mem>>) src(%arg21 : memref<128x128xf32, #tpu.memory_space<vmem>>) dst(%dma_wait3A_233 : memref<10240x128xf32, #tpu.memory_space<vmem_shared>>)
      } else {
      }
      %add3A_79 = arith.constant 1 : i32
      %add3A_80 = arith.addi %add3A_76, %add3A_79 : i32
      %add3A_81 = arith.addi %mul3A_14, %add3A_80 : i32
      "tpu.region"() ({
        %run_scoped3A = tpu.sem_alloc : memref<!tpu.dma_semaphore, #tpu.memory_space<semaphore_mem>>
        %dma_start3A_220 = arith.constant 0 : i32
        %dma_start3A_221 = tpu.memref_slice %arg2[%add3A_81, %dma_start3A_220] : memref<2560x128xi32, #tpu.memory_space<hbm>> -> memref<1x128xi32, #tpu.memory_space<hbm>>
        %dma_start3A_222 = arith.constant 0 : i32
        %dma_start3A_223 = tpu.memref_slice %arg2[%add3A_81, %dma_start3A_222] : memref<2560x128xi32, #tpu.memory_space<hbm>> -> memref<1x128xi32, #tpu.memory_space<hbm>>
        tpu.enqueue_dma source(%dma_start3A_223 : memref<1x128xi32, #tpu.memory_space<hbm>>) target(%arg11 : memref<1x128xi32, #tpu.memory_space<vmem>>) target_semaphore(%run_scoped3A : memref<!tpu.dma_semaphore, #tpu.memory_space<semaphore_mem>>)
        %dma_wait3A_224 = arith.constant 0 : i32
        %dma_wait3A_225 = tpu.memref_slice %arg2[%add3A_81, %dma_wait3A_224] : memref<2560x128xi32, #tpu.memory_space<hbm>> -> memref<1x128xi32, #tpu.memory_space<hbm>>
        %dma_wait3A_226 = arith.constant 0 : i32
        %dma_wait3A_227 = tpu.memref_slice %arg2[%add3A_81, %dma_wait3A_226] : memref<2560x128xi32, #tpu.memory_space<hbm>> -> memref<1x128xi32, #tpu.memory_space<hbm>>
        tpu.wait_dma2 semaphore(%run_scoped3A : memref<!tpu.dma_semaphore, #tpu.memory_space<semaphore_mem>>) src(%dma_wait3A_227 : memref<1x128xi32, #tpu.memory_space<hbm>>) dst(%arg11 : memref<1x128xi32, #tpu.memory_space<vmem>>)
        tpu.yield
      }) : () -> ()
      %add3A_82 = arith.addi %mul3A_14, %add3A_80 : i32
      "tpu.region"() ({
        %run_scoped3A = tpu.sem_alloc : memref<!tpu.dma_semaphore, #tpu.memory_space<semaphore_mem>>
        %dma_start3A_220 = arith.constant 0 : i32
        %dma_start3A_221 = tpu.memref_slice %arg3[%add3A_82, %dma_start3A_220] : memref<2560x128xi32, #tpu.memory_space<hbm>> -> memref<1x128xi32, #tpu.memory_space<hbm>>
        %dma_start3A_222 = arith.constant 0 : i32
        %dma_start3A_223 = tpu.memref_slice %arg3[%add3A_82, %dma_start3A_222] : memref<2560x128xi32, #tpu.memory_space<hbm>> -> memref<1x128xi32, #tpu.memory_space<hbm>>
        tpu.enqueue_dma source(%dma_start3A_223 : memref<1x128xi32, #tpu.memory_space<hbm>>) target(%arg13 : memref<1x128xi32, #tpu.memory_space<vmem>>) target_semaphore(%run_scoped3A : memref<!tpu.dma_semaphore, #tpu.memory_space<semaphore_mem>>)
        %dma_wait3A_224 = arith.constant 0 : i32
        %dma_wait3A_225 = tpu.memref_slice %arg3[%add3A_82, %dma_wait3A_224] : memref<2560x128xi32, #tpu.memory_space<hbm>> -> memref<1x128xi32, #tpu.memory_space<hbm>>
        %dma_wait3A_226 = arith.constant 0 : i32
        %dma_wait3A_227 = tpu.memref_slice %arg3[%add3A_82, %dma_wait3A_226] : memref<2560x128xi32, #tpu.memory_space<hbm>> -> memref<1x128xi32, #tpu.memory_space<hbm>>
        tpu.wait_dma2 semaphore(%run_scoped3A : memref<!tpu.dma_semaphore, #tpu.memory_space<semaphore_mem>>) src(%dma_wait3A_227 : memref<1x128xi32, #tpu.memory_space<hbm>>) dst(%arg13 : memref<1x128xi32, #tpu.memory_space<vmem>>)
        tpu.yield
      }) : () -> ()
      %dma_start3A_83 = arith.constant 0 : i32
      %dma_start3A_84 = arith.constant 0 : i32
      %dma_start3A_85 = tpu.memref_slice %arg11[%dma_start3A_83, %dma_start3A_84] : memref<1x128xi32, #tpu.memory_space<vmem>> -> memref<1x128xi32, #tpu.memory_space<vmem>>
      %dma_start3A_86 = tpu.memref_squeeze %dma_start3A_85 : memref<1x128xi32, #tpu.memory_space<vmem>> -> memref<128xi32, #tpu.memory_space<vmem>>
      %dma_start3A_87 = arith.constant 0 : i32
      %dma_start3A_88 = arith.constant 0 : i32
      %dma_start3A_89 = tpu.memref_slice %arg4[%dma_start3A_87, %dma_start3A_88] : memref<10240x16xf32, #tpu.memory_space<hbm>> -> memref<10240x16xf32, #tpu.memory_space<hbm>>
      tpu.enqueue_indirect_dma source(%dma_start3A_89 : memref<10240x16xf32, #tpu.memory_space<hbm>>) target(%arg15 : memref<128x16xf32, #tpu.memory_space<vmem>>) offsets(%dma_start3A_86 : memref<128xi32, #tpu.memory_space<vmem>>) semaphore(%arg23 : memref<!tpu.dma_semaphore, #tpu.memory_space<semaphore_mem>>)
      %dma_start3A_90 = arith.constant 0 : i32
      %dma_start3A_91 = arith.constant 0 : i32
      %dma_start3A_92 = tpu.memref_slice %arg13[%dma_start3A_90, %dma_start3A_91] : memref<1x128xi32, #tpu.memory_space<vmem>> -> memref<1x128xi32, #tpu.memory_space<vmem>>
      %dma_start3A_93 = tpu.memref_squeeze %dma_start3A_92 : memref<1x128xi32, #tpu.memory_space<vmem>> -> memref<128xi32, #tpu.memory_space<vmem>>
      %dma_start3A_94 = arith.constant 0 : i32
      %dma_start3A_95 = arith.constant 0 : i32
      %dma_start3A_96 = tpu.memref_slice %arg4[%dma_start3A_94, %dma_start3A_95] : memref<10240x16xf32, #tpu.memory_space<hbm>> -> memref<10240x16xf32, #tpu.memory_space<hbm>>
      tpu.enqueue_indirect_dma source(%dma_start3A_96 : memref<10240x16xf32, #tpu.memory_space<hbm>>) target(%arg17 : memref<128x16xf32, #tpu.memory_space<vmem>>) offsets(%dma_start3A_93 : memref<128xi32, #tpu.memory_space<vmem>>) semaphore(%arg25 : memref<!tpu.dma_semaphore, #tpu.memory_space<semaphore_mem>>)
      %dma_start3A_97 = arith.constant 0 : i32
      %dma_start3A_98 = arith.constant 0 : i32
      %dma_start3A_99 = tpu.memref_slice %arg11[%dma_start3A_97, %dma_start3A_98] : memref<1x128xi32, #tpu.memory_space<vmem>> -> memref<1x128xi32, #tpu.memory_space<vmem>>
      %dma_start3A_100 = tpu.memref_squeeze %dma_start3A_99 : memref<1x128xi32, #tpu.memory_space<vmem>> -> memref<128xi32, #tpu.memory_space<vmem>>
      %dma_start3A_101 = arith.constant 0 : i32
      %dma_start3A_102 = arith.constant 0 : i32
      %dma_start3A_103 = tpu.memref_slice %arg5[%dma_start3A_101, %dma_start3A_102] : memref<10240x128xf32, #tpu.memory_space<hbm>> -> memref<10240x128xf32, #tpu.memory_space<hbm>>
      tpu.enqueue_indirect_dma source(%dma_start3A_103 : memref<10240x128xf32, #tpu.memory_space<hbm>>) target(%arg21 : memref<128x128xf32, #tpu.memory_space<vmem>>) offsets(%dma_start3A_100 : memref<128xi32, #tpu.memory_space<vmem>>) semaphore(%arg27 : memref<!tpu.dma_semaphore, #tpu.memory_space<semaphore_mem>>)
      %dma_wait3A_104 = arith.constant 0 : i32
      %dma_wait3A_105 = arith.constant 0 : i32
      %dma_wait3A_106 = tpu.memref_slice %arg10[%dma_wait3A_104, %dma_wait3A_105] : memref<1x128xi32, #tpu.memory_space<vmem>> -> memref<1x128xi32, #tpu.memory_space<vmem>>
      %dma_wait3A_107 = tpu.memref_squeeze %dma_wait3A_106 : memref<1x128xi32, #tpu.memory_space<vmem>> -> memref<128xi32, #tpu.memory_space<vmem>>
      %dma_wait3A_108 = arith.constant 0 : i32
      %dma_wait3A_109 = arith.constant 0 : i32
      %dma_wait3A_110 = tpu.memref_slice %arg4[%dma_wait3A_108, %dma_wait3A_109] : memref<10240x16xf32, #tpu.memory_space<hbm>> -> memref<10240x16xf32, #tpu.memory_space<hbm>>
      tpu.wait_indirect_dma semaphore(%arg22 : memref<!tpu.dma_semaphore, #tpu.memory_space<semaphore_mem>>) src(%dma_wait3A_110 : memref<10240x16xf32, #tpu.memory_space<hbm>>) dst(%arg14 : memref<128x16xf32, #tpu.memory_space<vmem>>)
      %dma_wait3A_111 = arith.constant 0 : i32
      %dma_wait3A_112 = arith.constant 0 : i32
      %dma_wait3A_113 = tpu.memref_slice %arg12[%dma_wait3A_111, %dma_wait3A_112] : memref<1x128xi32, #tpu.memory_space<vmem>> -> memref<1x128xi32, #tpu.memory_space<vmem>>
      %dma_wait3A_114 = tpu.memref_squeeze %dma_wait3A_113 : memref<1x128xi32, #tpu.memory_space<vmem>> -> memref<128xi32, #tpu.memory_space<vmem>>
      %dma_wait3A_115 = arith.constant 0 : i32
      %dma_wait3A_116 = arith.constant 0 : i32
      %dma_wait3A_117 = tpu.memref_slice %arg4[%dma_wait3A_115, %dma_wait3A_116] : memref<10240x16xf32, #tpu.memory_space<hbm>> -> memref<10240x16xf32, #tpu.memory_space<hbm>>
      tpu.wait_indirect_dma semaphore(%arg24 : memref<!tpu.dma_semaphore, #tpu.memory_space<semaphore_mem>>) src(%dma_wait3A_117 : memref<10240x16xf32, #tpu.memory_space<hbm>>) dst(%arg16 : memref<128x16xf32, #tpu.memory_space<vmem>>)
      %dma_wait3A_118 = arith.constant 0 : i32
      %dma_wait3A_119 = arith.constant 0 : i32
      %dma_wait3A_120 = tpu.memref_slice %arg10[%dma_wait3A_118, %dma_wait3A_119] : memref<1x128xi32, #tpu.memory_space<vmem>> -> memref<1x128xi32, #tpu.memory_space<vmem>>
      %dma_wait3A_121 = tpu.memref_squeeze %dma_wait3A_120 : memref<1x128xi32, #tpu.memory_space<vmem>> -> memref<128xi32, #tpu.memory_space<vmem>>
      %dma_wait3A_122 = arith.constant 0 : i32
      %dma_wait3A_123 = arith.constant 0 : i32
      %dma_wait3A_124 = tpu.memref_slice %arg5[%dma_wait3A_122, %dma_wait3A_123] : memref<10240x128xf32, #tpu.memory_space<hbm>> -> memref<10240x128xf32, #tpu.memory_space<hbm>>
      tpu.wait_indirect_dma semaphore(%arg26 : memref<!tpu.dma_semaphore, #tpu.memory_space<semaphore_mem>>) src(%dma_wait3A_124 : memref<10240x128xf32, #tpu.memory_space<hbm>>) dst(%arg20 : memref<128x128xf32, #tpu.memory_space<vmem>>)
      %scan3A_125 = arith.constant 0 : i32
      %scan3A_126 = arith.constant 0 : i32
      %scan3A_127 = arith.constant 64 : i32
      %scan3A_128 = arith.addi %scan3A_126, %scan3A_127 : i32
      %scan3A_129 = arith.constant 1 : i32
      scf.for %scan3A_220 = %scan3A_126 to %scan3A_128 step %scan3A_129  : i32 {
        %mul3A_221 = arith.constant 2 : i32
        %mul3A_222 = arith.muli %scan3A_220, %mul3A_221 : i32
        %add3A_223 = vector.broadcast %mul3A_222 : i32 to vector<16xi32>
        %add3A_224 = arith.addi %shift_right_arithmetic3A_12, %add3A_223 : vector<16xi32>
        %gather3A = tpu.vector_load_idx %arg14[%add3A_224, %and3A_10] : memref<128x16xf32, #tpu.memory_space<vmem>>[vector<16xi32>, vector<16xi32>], vector<16xf32>,
        %add3A_225 = arith.constant 8 : i32
        %add3A_226 = vector.broadcast %add3A_225 : i32 to vector<16xi32>
        %add3A_227 = arith.addi %and3A_10, %add3A_226 : vector<16xi32>
        %gather3A_228 = tpu.vector_load_idx %arg16[%add3A_224, %add3A_227] : memref<128x16xf32, #tpu.memory_space<vmem>>[vector<16xi32>, vector<16xi32>], vector<16xf32>,
        %add3A_229 = arith.addf %gather3A, %gather3A_228 : vector<16xf32>
        %ge3A = arith.constant 0.000000e+00 : f32
        %ge3A_230 = vector.broadcast %ge3A : f32 to vector<16xf32>
        %ge3A_231 = arith.cmpf oge, %add3A_229, %ge3A_230 : vector<16xf32>
        %mul3A_232 = arith.constant 2.000000e-01 : f32
        %mul3A_233 = vector.broadcast %mul3A_232 : f32 to vector<16xf32>
        %mul3A_234 = arith.mulf %mul3A_233, %add3A_229 : vector<16xf32>
        %select_n3A = arith.select %ge3A_231, %add3A_229, %mul3A_234 : vector<16xi1>, vector<16xf32>
        %exp3A = math.exp %select_n3A : vector<16xf32>
        tpu.vector_store_idx %arg18[%add3A_224, %and3A_10], %exp3A : memref<128x8xf32, #tpu.memory_space<vmem>>[vector<16xi32>, vector<16xi32>], vector<16xf32>,
      }
      %scan3A_130 = arith.constant 64 : i32
      %dma_start3A_131 = arith.constant 0 : i32
      %dma_start3A_132 = arith.constant 0 : i32
      %dma_start3A_133 = tpu.memref_slice %arg12[%dma_start3A_131, %dma_start3A_132] : memref<1x128xi32, #tpu.memory_space<vmem>> -> memref<1x128xi32, #tpu.memory_space<vmem>>
      %dma_start3A_134 = tpu.memref_squeeze %dma_start3A_133 : memref<1x128xi32, #tpu.memory_space<vmem>> -> memref<128xi32, #tpu.memory_space<vmem>>
      %dma_start3A_135 = arith.constant 0 : i32
      %dma_start3A_136 = arith.constant 0 : i32
      %dma_start3A_137 = tpu.memref_slice %arg32[%dma_start3A_135, %dma_start3A_136] : memref<10240x8xf32, #tpu.memory_space<vmem_shared>> -> memref<10240x8xf32, #tpu.memory_space<vmem_shared>>
      tpu.enqueue_indirect_dma source(%arg18 : memref<128x8xf32, #tpu.memory_space<vmem>>) target(%dma_start3A_137 : memref<10240x8xf32, #tpu.memory_space<vmem_shared>>) offsets(%dma_start3A_134 : memref<128xi32, #tpu.memory_space<vmem>>) semaphore(%arg28 : memref<!tpu.dma_semaphore, #tpu.memory_space<semaphore_mem>>) {add = true}
      %scan3A_138 = arith.constant 0 : i32
      %scan3A_139 = arith.constant 0 : i32
      %scan3A_140 = arith.constant 128 : i32
      %scan3A_141 = arith.addi %scan3A_139, %scan3A_140 : i32
      %scan3A_142 = arith.constant 1 : i32
      scf.for %scan3A_220 = %scan3A_139 to %scan3A_141 step %scan3A_142  : i32 {
        %broadcast_in_dim3A = vector.broadcast %scan3A_220 : i32 to vector<16xi32>
        %broadcast_in_dim3A_221 = arith.constant 0 : i32
        %broadcast_in_dim3A_222 = vector.broadcast %broadcast_in_dim3A_221 : i32 to vector<16xi32>
        %gather3A = tpu.vector_load_idx %arg18[%broadcast_in_dim3A, %broadcast_in_dim3A_222] : memref<128x8xf32, #tpu.memory_space<vmem>>[vector<16xi32>, vector<16xi32>], vector<16xf32>,
        %add3A_223 = arith.constant 0 : i32
        %add3A_224 = vector.broadcast %add3A_223 : i32 to vector<16xi32>
        %add3A_225 = arith.addi %iota3A, %add3A_224 : vector<16xi32>
        %gather3A_226 = tpu.vector_load_idx %arg20[%broadcast_in_dim3A, %add3A_225] : memref<128x128xf32, #tpu.memory_space<vmem>>[vector<16xi32>, vector<16xi32>], vector<16xf32>,
        %mul3A_227 = arith.mulf %gather3A_226, %gather3A : vector<16xf32>
        tpu.vector_store_idx %arg20[%broadcast_in_dim3A, %add3A_225], %mul3A_227 : memref<128x128xf32, #tpu.memory_space<vmem>>[vector<16xi32>, vector<16xi32>], vector<16xf32>,
        %broadcast_in_dim3A_228 = arith.constant 1 : i32
        %broadcast_in_dim3A_229 = vector.broadcast %broadcast_in_dim3A_228 : i32 to vector<16xi32>
        %gather3A_230 = tpu.vector_load_idx %arg18[%broadcast_in_dim3A, %broadcast_in_dim3A_229] : memref<128x8xf32, #tpu.memory_space<vmem>>[vector<16xi32>, vector<16xi32>], vector<16xf32>,
        %add3A_231 = arith.constant 16 : i32
        %add3A_232 = vector.broadcast %add3A_231 : i32 to vector<16xi32>
        %add3A_233 = arith.addi %iota3A, %add3A_232 : vector<16xi32>
        %gather3A_234 = tpu.vector_load_idx %arg20[%broadcast_in_dim3A, %add3A_233] : memref<128x128xf32, #tpu.memory_space<vmem>>[vector<16xi32>, vector<16xi32>], vector<16xf32>,
        %mul3A_235 = arith.mulf %gather3A_234, %gather3A_230 : vector<16xf32>
        tpu.vector_store_idx %arg20[%broadcast_in_dim3A, %add3A_233], %mul3A_235 : memref<128x128xf32, #tpu.memory_space<vmem>>[vector<16xi32>, vector<16xi32>], vector<16xf32>,
        %broadcast_in_dim3A_236 = arith.constant 2 : i32
        %broadcast_in_dim3A_237 = vector.broadcast %broadcast_in_dim3A_236 : i32 to vector<16xi32>
        %gather3A_238 = tpu.vector_load_idx %arg18[%broadcast_in_dim3A, %broadcast_in_dim3A_237] : memref<128x8xf32, #tpu.memory_space<vmem>>[vector<16xi32>, vector<16xi32>], vector<16xf32>,
        %add3A_239 = arith.constant 32 : i32
        %add3A_240 = vector.broadcast %add3A_239 : i32 to vector<16xi32>
        %add3A_241 = arith.addi %iota3A, %add3A_240 : vector<16xi32>
        %gather3A_242 = tpu.vector_load_idx %arg20[%broadcast_in_dim3A, %add3A_241] : memref<128x128xf32, #tpu.memory_space<vmem>>[vector<16xi32>, vector<16xi32>], vector<16xf32>,
        %mul3A_243 = arith.mulf %gather3A_242, %gather3A_238 : vector<16xf32>
        tpu.vector_store_idx %arg20[%broadcast_in_dim3A, %add3A_241], %mul3A_243 : memref<128x128xf32, #tpu.memory_space<vmem>>[vector<16xi32>, vector<16xi32>], vector<16xf32>,
        %broadcast_in_dim3A_244 = arith.constant 3 : i32
        %broadcast_in_dim3A_245 = vector.broadcast %broadcast_in_dim3A_244 : i32 to vector<16xi32>
        %gather3A_246 = tpu.vector_load_idx %arg18[%broadcast_in_dim3A, %broadcast_in_dim3A_245] : memref<128x8xf32, #tpu.memory_space<vmem>>[vector<16xi32>, vector<16xi32>], vector<16xf32>,
        %add3A_247 = arith.constant 48 : i32
        %add3A_248 = vector.broadcast %add3A_247 : i32 to vector<16xi32>
        %add3A_249 = arith.addi %iota3A, %add3A_248 : vector<16xi32>
        %gather3A_250 = tpu.vector_load_idx %arg20[%broadcast_in_dim3A, %add3A_249] : memref<128x128xf32, #tpu.memory_space<vmem>>[vector<16xi32>, vector<16xi32>], vector<16xf32>,
        %mul3A_251 = arith.mulf %gather3A_250, %gather3A_246 : vector<16xf32>
        tpu.vector_store_idx %arg20[%broadcast_in_dim3A, %add3A_249], %mul3A_251 : memref<128x128xf32, #tpu.memory_space<vmem>>[vector<16xi32>, vector<16xi32>], vector<16xf32>,
        %broadcast_in_dim3A_252 = arith.constant 4 : i32
        %broadcast_in_dim3A_253 = vector.broadcast %broadcast_in_dim3A_252 : i32 to vector<16xi32>
        %gather3A_254 = tpu.vector_load_idx %arg18[%broadcast_in_dim3A, %broadcast_in_dim3A_253] : memref<128x8xf32, #tpu.memory_space<vmem>>[vector<16xi32>, vector<16xi32>], vector<16xf32>,
        %add3A_255 = arith.constant 64 : i32
        %add3A_256 = vector.broadcast %add3A_255 : i32 to vector<16xi32>
        %add3A_257 = arith.addi %iota3A, %add3A_256 : vector<16xi32>
        %gather3A_258 = tpu.vector_load_idx %arg20[%broadcast_in_dim3A, %add3A_257] : memref<128x128xf32, #tpu.memory_space<vmem>>[vector<16xi32>, vector<16xi32>], vector<16xf32>,
        %mul3A_259 = arith.mulf %gather3A_258, %gather3A_254 : vector<16xf32>
        tpu.vector_store_idx %arg20[%broadcast_in_dim3A, %add3A_257], %mul3A_259 : memref<128x128xf32, #tpu.memory_space<vmem>>[vector<16xi32>, vector<16xi32>], vector<16xf32>,
        %broadcast_in_dim3A_260 = arith.constant 5 : i32
        %broadcast_in_dim3A_261 = vector.broadcast %broadcast_in_dim3A_260 : i32 to vector<16xi32>
        %gather3A_262 = tpu.vector_load_idx %arg18[%broadcast_in_dim3A, %broadcast_in_dim3A_261] : memref<128x8xf32, #tpu.memory_space<vmem>>[vector<16xi32>, vector<16xi32>], vector<16xf32>,
        %add3A_263 = arith.constant 80 : i32
        %add3A_264 = vector.broadcast %add3A_263 : i32 to vector<16xi32>
        %add3A_265 = arith.addi %iota3A, %add3A_264 : vector<16xi32>
        %gather3A_266 = tpu.vector_load_idx %arg20[%broadcast_in_dim3A, %add3A_265] : memref<128x128xf32, #tpu.memory_space<vmem>>[vector<16xi32>, vector<16xi32>], vector<16xf32>,
        %mul3A_267 = arith.mulf %gather3A_266, %gather3A_262 : vector<16xf32>
        tpu.vector_store_idx %arg20[%broadcast_in_dim3A, %add3A_265], %mul3A_267 : memref<128x128xf32, #tpu.memory_space<vmem>>[vector<16xi32>, vector<16xi32>], vector<16xf32>,
        %broadcast_in_dim3A_268 = arith.constant 6 : i32
        %broadcast_in_dim3A_269 = vector.broadcast %broadcast_in_dim3A_268 : i32 to vector<16xi32>
        %gather3A_270 = tpu.vector_load_idx %arg18[%broadcast_in_dim3A, %broadcast_in_dim3A_269] : memref<128x8xf32, #tpu.memory_space<vmem>>[vector<16xi32>, vector<16xi32>], vector<16xf32>,
        %add3A_271 = arith.constant 96 : i32
        %add3A_272 = vector.broadcast %add3A_271 : i32 to vector<16xi32>
        %add3A_273 = arith.addi %iota3A, %add3A_272 : vector<16xi32>
        %gather3A_274 = tpu.vector_load_idx %arg20[%broadcast_in_dim3A, %add3A_273] : memref<128x128xf32, #tpu.memory_space<vmem>>[vector<16xi32>, vector<16xi32>], vector<16xf32>,
        %mul3A_275 = arith.mulf %gather3A_274, %gather3A_270 : vector<16xf32>
        tpu.vector_store_idx %arg20[%broadcast_in_dim3A, %add3A_273], %mul3A_275 : memref<128x128xf32, #tpu.memory_space<vmem>>[vector<16xi32>, vector<16xi32>], vector<16xf32>,
        %broadcast_in_dim3A_276 = arith.constant 7 : i32
        %broadcast_in_dim3A_277 = vector.broadcast %broadcast_in_dim3A_276 : i32 to vector<16xi32>
        %gather3A_278 = tpu.vector_load_idx %arg18[%broadcast_in_dim3A, %broadcast_in_dim3A_277] : memref<128x8xf32, #tpu.memory_space<vmem>>[vector<16xi32>, vector<16xi32>], vector<16xf32>,
        %add3A_279 = arith.constant 112 : i32
        %add3A_280 = vector.broadcast %add3A_279 : i32 to vector<16xi32>
        %add3A_281 = arith.addi %iota3A, %add3A_280 : vector<16xi32>
        %gather3A_282 = tpu.vector_load_idx %arg20[%broadcast_in_dim3A, %add3A_281] : memref<128x128xf32, #tpu.memory_space<vmem>>[vector<16xi32>, vector<16xi32>], vector<16xf32>,
        %mul3A_283 = arith.mulf %gather3A_282, %gather3A_278 : vector<16xf32>
        tpu.vector_store_idx %arg20[%broadcast_in_dim3A, %add3A_281], %mul3A_283 : memref<128x128xf32, #tpu.memory_space<vmem>>[vector<16xi32>, vector<16xi32>], vector<16xf32>,
      }
      %scan3A_143 = arith.constant 128 : i32
      %dma_start3A_144 = arith.constant 0 : i32
      %dma_start3A_145 = arith.constant 0 : i32
      %dma_start3A_146 = tpu.memref_slice %arg12[%dma_start3A_144, %dma_start3A_145] : memref<1x128xi32, #tpu.memory_space<vmem>> -> memref<1x128xi32, #tpu.memory_space<vmem>>
      %dma_start3A_147 = tpu.memref_squeeze %dma_start3A_146 : memref<1x128xi32, #tpu.memory_space<vmem>> -> memref<128xi32, #tpu.memory_space<vmem>>
      %dma_start3A_148 = arith.constant 0 : i32
      %dma_start3A_149 = arith.constant 0 : i32
      %dma_start3A_150 = tpu.memref_slice %arg33[%dma_start3A_148, %dma_start3A_149] : memref<10240x128xf32, #tpu.memory_space<vmem_shared>> -> memref<10240x128xf32, #tpu.memory_space<vmem_shared>>
      tpu.enqueue_indirect_dma source(%arg20 : memref<128x128xf32, #tpu.memory_space<vmem>>) target(%dma_start3A_150 : memref<10240x128xf32, #tpu.memory_space<vmem_shared>>) offsets(%dma_start3A_147 : memref<128xi32, #tpu.memory_space<vmem>>) semaphore(%arg30 : memref<!tpu.dma_semaphore, #tpu.memory_space<semaphore_mem>>) {add = true}
      %mul3A_151 = arith.constant 2 : i32
      %mul3A_152 = arith.muli %scan3A_72, %mul3A_151 : i32
      %add3A_153 = arith.constant 1 : i32
      %add3A_154 = arith.addi %mul3A_152, %add3A_153 : i32
      %dma_wait3A_155 = arith.constant 0 : i32
      %dma_wait3A_156 = arith.constant 0 : i32
      %dma_wait3A_157 = tpu.memref_slice %arg12[%dma_wait3A_155, %dma_wait3A_156] : memref<1x128xi32, #tpu.memory_space<vmem>> -> memref<1x128xi32, #tpu.memory_space<vmem>>
      %dma_wait3A_158 = tpu.memref_squeeze %dma_wait3A_157 : memref<1x128xi32, #tpu.memory_space<vmem>> -> memref<128xi32, #tpu.memory_space<vmem>>
      %dma_wait3A_159 = arith.constant 0 : i32
      %dma_wait3A_160 = arith.constant 0 : i32
      %dma_wait3A_161 = tpu.memref_slice %arg32[%dma_wait3A_159, %dma_wait3A_160] : memref<10240x8xf32, #tpu.memory_space<vmem_shared>> -> memref<10240x8xf32, #tpu.memory_space<vmem_shared>>
      tpu.wait_indirect_dma semaphore(%arg28 : memref<!tpu.dma_semaphore, #tpu.memory_space<semaphore_mem>>) src(%arg18 : memref<128x8xf32, #tpu.memory_space<vmem>>) dst(%dma_wait3A_161 : memref<10240x8xf32, #tpu.memory_space<vmem_shared>>)
      %dma_wait3A_162 = arith.constant 0 : i32
      %dma_wait3A_163 = arith.constant 0 : i32
      %dma_wait3A_164 = tpu.memref_slice %arg12[%dma_wait3A_162, %dma_wait3A_163] : memref<1x128xi32, #tpu.memory_space<vmem>> -> memref<1x128xi32, #tpu.memory_space<vmem>>
      %dma_wait3A_165 = tpu.memref_squeeze %dma_wait3A_164 : memref<1x128xi32, #tpu.memory_space<vmem>> -> memref<128xi32, #tpu.memory_space<vmem>>
      %dma_wait3A_166 = arith.constant 0 : i32
      %dma_wait3A_167 = arith.constant 0 : i32
      %dma_wait3A_168 = tpu.memref_slice %arg33[%dma_wait3A_166, %dma_wait3A_167] : memref<10240x128xf32, #tpu.memory_space<vmem_shared>> -> memref<10240x128xf32, #tpu.memory_space<vmem_shared>>
      tpu.wait_indirect_dma semaphore(%arg30 : memref<!tpu.dma_semaphore, #tpu.memory_space<semaphore_mem>>) src(%arg20 : memref<128x128xf32, #tpu.memory_space<vmem>>) dst(%dma_wait3A_168 : memref<10240x128xf32, #tpu.memory_space<vmem_shared>>)
      %lt3A = arith.constant 39 : i32
      %lt3A_169 = arith.cmpi slt, %scan3A_72, %lt3A : i32
      %convert_element_type3A_170 = arith.extui %lt3A_169 : i1 to i32
      %cond3A_171 = arith.constant 0 : i32
      %cond3A_172 = arith.cmpi ne, %convert_element_type3A_170, %cond3A_171 : i32
      scf.if %cond3A_172 {
        %add3A_220 = arith.constant 1 : i32
        %add3A_221 = arith.addi %add3A_154, %add3A_220 : i32
        %add3A_222 = arith.addi %mul3A_14, %add3A_221 : i32
        "tpu.region"() ({
          %run_scoped3A = tpu.sem_alloc : memref<!tpu.dma_semaphore, #tpu.memory_space<semaphore_mem>>
          %dma_start3A_245 = arith.constant 0 : i32
          %dma_start3A_246 = tpu.memref_slice %arg2[%add3A_222, %dma_start3A_245] : memref<2560x128xi32, #tpu.memory_space<hbm>> -> memref<1x128xi32, #tpu.memory_space<hbm>>
          %dma_start3A_247 = arith.constant 0 : i32
          %dma_start3A_248 = tpu.memref_slice %arg2[%add3A_222, %dma_start3A_247] : memref<2560x128xi32, #tpu.memory_space<hbm>> -> memref<1x128xi32, #tpu.memory_space<hbm>>
          tpu.enqueue_dma source(%dma_start3A_248 : memref<1x128xi32, #tpu.memory_space<hbm>>) target(%arg10 : memref<1x128xi32, #tpu.memory_space<vmem>>) target_semaphore(%run_scoped3A : memref<!tpu.dma_semaphore, #tpu.memory_space<semaphore_mem>>)
          %dma_wait3A_249 = arith.constant 0 : i32
          %dma_wait3A_250 = tpu.memref_slice %arg2[%add3A_222, %dma_wait3A_249] : memref<2560x128xi32, #tpu.memory_space<hbm>> -> memref<1x128xi32, #tpu.memory_space<hbm>>
          %dma_wait3A_251 = arith.constant 0 : i32
          %dma_wait3A_252 = tpu.memref_slice %arg2[%add3A_222, %dma_wait3A_251] : memref<2560x128xi32, #tpu.memory_space<hbm>> -> memref<1x128xi32, #tpu.memory_space<hbm>>
          tpu.wait_dma2 semaphore(%run_scoped3A : memref<!tpu.dma_semaphore, #tpu.memory_space<semaphore_mem>>) src(%dma_wait3A_252 : memref<1x128xi32, #tpu.memory_space<hbm>>) dst(%arg10 : memref<1x128xi32, #tpu.memory_space<vmem>>)
          tpu.yield
        }) : () -> ()
        %add3A_223 = arith.addi %mul3A_14, %add3A_221 : i32
        "tpu.region"() ({
          %run_scoped3A = tpu.sem_alloc : memref<!tpu.dma_semaphore, #tpu.memory_space<semaphore_mem>>
          %dma_start3A_245 = arith.constant 0 : i32
          %dma_start3A_246 = tpu.memref_slice %arg3[%add3A_223, %dma_start3A_245] : memref<2560x128xi32, #tpu.memory_space<hbm>> -> memref<1x128xi32, #tpu.memory_space<hbm>>
          %dma_start3A_247 = arith.constant 0 : i32
          %dma_start3A_248 = tpu.memref_slice %arg3[%add3A_223, %dma_start3A_247] : memref<2560x128xi32, #tpu.memory_space<hbm>> -> memref<1x128xi32, #tpu.memory_space<hbm>>
          tpu.enqueue_dma source(%dma_start3A_248 : memref<1x128xi32, #tpu.memory_space<hbm>>) target(%arg12 : memref<1x128xi32, #tpu.memory_space<vmem>>) target_semaphore(%run_scoped3A : memref<!tpu.dma_semaphore, #tpu.memory_space<semaphore_mem>>)
          %dma_wait3A_249 = arith.constant 0 : i32
          %dma_wait3A_250 = tpu.memref_slice %arg3[%add3A_223, %dma_wait3A_249] : memref<2560x128xi32, #tpu.memory_space<hbm>> -> memref<1x128xi32, #tpu.memory_space<hbm>>
          %dma_wait3A_251 = arith.constant 0 : i32
          %dma_wait3A_252 = tpu.memref_slice %arg3[%add3A_223, %dma_wait3A_251] : memref<2560x128xi32, #tpu.memory_space<hbm>> -> memref<1x128xi32, #tpu.memory_space<hbm>>
          tpu.wait_dma2 semaphore(%run_scoped3A : memref<!tpu.dma_semaphore, #tpu.memory_space<semaphore_mem>>) src(%dma_wait3A_252 : memref<1x128xi32, #tpu.memory_space<hbm>>) dst(%arg12 : memref<1x128xi32, #tpu.memory_space<vmem>>)
          tpu.yield
        }) : () -> ()
        %dma_start3A_224 = arith.constant 0 : i32
        %dma_start3A_225 = arith.constant 0 : i32
        %dma_start3A_226 = tpu.memref_slice %arg10[%dma_start3A_224, %dma_start3A_225] : memref<1x128xi32, #tpu.memory_space<vmem>> -> memref<1x128xi32, #tpu.memory_space<vmem>>
        %dma_start3A_227 = tpu.memref_squeeze %dma_start3A_226 : memref<1x128xi32, #tpu.memory_space<vmem>> -> memref<128xi32, #tpu.memory_space<vmem>>
        %dma_start3A_228 = arith.constant 0 : i32
        %dma_start3A_229 = arith.constant 0 : i32
        %dma_start3A_230 = tpu.memref_slice %arg4[%dma_start3A_228, %dma_start3A_229] : memref<10240x16xf32, #tpu.memory_space<hbm>> -> memref<10240x16xf32, #tpu.memory_space<hbm>>
        tpu.enqueue_indirect_dma source(%dma_start3A_230 : memref<10240x16xf32, #tpu.memory_space<hbm>>) target(%arg14 : memref<128x16xf32, #tpu.memory_space<vmem>>) offsets(%dma_start3A_227 : memref<128xi32, #tpu.memory_space<vmem>>) semaphore(%arg22 : memref<!tpu.dma_semaphore, #tpu.memory_space<semaphore_mem>>)
        %dma_start3A_231 = arith.constant 0 : i32
        %dma_start3A_232 = arith.constant 0 : i32
        %dma_start3A_233 = tpu.memref_slice %arg12[%dma_start3A_231, %dma_start3A_232] : memref<1x128xi32, #tpu.memory_space<vmem>> -> memref<1x128xi32, #tpu.memory_space<vmem>>
        %dma_start3A_234 = tpu.memref_squeeze %dma_start3A_233 : memref<1x128xi32, #tpu.memory_space<vmem>> -> memref<128xi32, #tpu.memory_space<vmem>>
        %dma_start3A_235 = arith.constant 0 : i32
        %dma_start3A_236 = arith.constant 0 : i32
        %dma_start3A_237 = tpu.memref_slice %arg4[%dma_start3A_235, %dma_start3A_236] : memref<10240x16xf32, #tpu.memory_space<hbm>> -> memref<10240x16xf32, #tpu.memory_space<hbm>>
        tpu.enqueue_indirect_dma source(%dma_start3A_237 : memref<10240x16xf32, #tpu.memory_space<hbm>>) target(%arg16 : memref<128x16xf32, #tpu.memory_space<vmem>>) offsets(%dma_start3A_234 : memref<128xi32, #tpu.memory_space<vmem>>) semaphore(%arg24 : memref<!tpu.dma_semaphore, #tpu.memory_space<semaphore_mem>>)
        %dma_start3A_238 = arith.constant 0 : i32
        %dma_start3A_239 = arith.constant 0 : i32
        %dma_start3A_240 = tpu.memref_slice %arg10[%dma_start3A_238, %dma_start3A_239] : memref<1x128xi32, #tpu.memory_space<vmem>> -> memref<1x128xi32, #tpu.memory_space<vmem>>
        %dma_start3A_241 = tpu.memref_squeeze %dma_start3A_240 : memref<1x128xi32, #tpu.memory_space<vmem>> -> memref<128xi32, #tpu.memory_space<vmem>>
        %dma_start3A_242 = arith.constant 0 : i32
        %dma_start3A_243 = arith.constant 0 : i32
        %dma_start3A_244 = tpu.memref_slice %arg5[%dma_start3A_242, %dma_start3A_243] : memref<10240x128xf32, #tpu.memory_space<hbm>> -> memref<10240x128xf32, #tpu.memory_space<hbm>>
        tpu.enqueue_indirect_dma source(%dma_start3A_244 : memref<10240x128xf32, #tpu.memory_space<hbm>>) target(%arg20 : memref<128x128xf32, #tpu.memory_space<vmem>>) offsets(%dma_start3A_241 : memref<128xi32, #tpu.memory_space<vmem>>) semaphore(%arg26 : memref<!tpu.dma_semaphore, #tpu.memory_space<semaphore_mem>>)
      } else {
      }
      %dma_wait3A_173 = arith.constant 0 : i32
      %dma_wait3A_174 = arith.constant 0 : i32
      %dma_wait3A_175 = tpu.memref_slice %arg11[%dma_wait3A_173, %dma_wait3A_174] : memref<1x128xi32, #tpu.memory_space<vmem>> -> memref<1x128xi32, #tpu.memory_space<vmem>>
      %dma_wait3A_176 = tpu.memref_squeeze %dma_wait3A_175 : memref<1x128xi32, #tpu.memory_space<vmem>> -> memref<128xi32, #tpu.memory_space<vmem>>
      %dma_wait3A_177 = arith.constant 0 : i32
      %dma_wait3A_178 = arith.constant 0 : i32
      %dma_wait3A_179 = tpu.memref_slice %arg4[%dma_wait3A_177, %dma_wait3A_178] : memref<10240x16xf32, #tpu.memory_space<hbm>> -> memref<10240x16xf32, #tpu.memory_space<hbm>>
      tpu.wait_indirect_dma semaphore(%arg23 : memref<!tpu.dma_semaphore, #tpu.memory_space<semaphore_mem>>) src(%dma_wait3A_179 : memref<10240x16xf32, #tpu.memory_space<hbm>>) dst(%arg15 : memref<128x16xf32, #tpu.memory_space<vmem>>)
      %dma_wait3A_180 = arith.constant 0 : i32
      %dma_wait3A_181 = arith.constant 0 : i32
      %dma_wait3A_182 = tpu.memref_slice %arg13[%dma_wait3A_180, %dma_wait3A_181] : memref<1x128xi32, #tpu.memory_space<vmem>> -> memref<1x128xi32, #tpu.memory_space<vmem>>
      %dma_wait3A_183 = tpu.memref_squeeze %dma_wait3A_182 : memref<1x128xi32, #tpu.memory_space<vmem>> -> memref<128xi32, #tpu.memory_space<vmem>>
      %dma_wait3A_184 = arith.constant 0 : i32
      %dma_wait3A_185 = arith.constant 0 : i32
      %dma_wait3A_186 = tpu.memref_slice %arg4[%dma_wait3A_184, %dma_wait3A_185] : memref<10240x16xf32, #tpu.memory_space<hbm>> -> memref<10240x16xf32, #tpu.memory_space<hbm>>
      tpu.wait_indirect_dma semaphore(%arg25 : memref<!tpu.dma_semaphore, #tpu.memory_space<semaphore_mem>>) src(%dma_wait3A_186 : memref<10240x16xf32, #tpu.memory_space<hbm>>) dst(%arg17 : memref<128x16xf32, #tpu.memory_space<vmem>>)
      %dma_wait3A_187 = arith.constant 0 : i32
      %dma_wait3A_188 = arith.constant 0 : i32
      %dma_wait3A_189 = tpu.memref_slice %arg11[%dma_wait3A_187, %dma_wait3A_188] : memref<1x128xi32, #tpu.memory_space<vmem>> -> memref<1x128xi32, #tpu.memory_space<vmem>>
      %dma_wait3A_190 = tpu.memref_squeeze %dma_wait3A_189 : memref<1x128xi32, #tpu.memory_space<vmem>> -> memref<128xi32, #tpu.memory_space<vmem>>
      %dma_wait3A_191 = arith.constant 0 : i32
      %dma_wait3A_192 = arith.constant 0 : i32
      %dma_wait3A_193 = tpu.memref_slice %arg5[%dma_wait3A_191, %dma_wait3A_192] : memref<10240x128xf32, #tpu.memory_space<hbm>> -> memref<10240x128xf32, #tpu.memory_space<hbm>>
      tpu.wait_indirect_dma semaphore(%arg27 : memref<!tpu.dma_semaphore, #tpu.memory_space<semaphore_mem>>) src(%dma_wait3A_193 : memref<10240x128xf32, #tpu.memory_space<hbm>>) dst(%arg21 : memref<128x128xf32, #tpu.memory_space<vmem>>)
      %scan3A_194 = arith.constant 0 : i32
      %scan3A_195 = arith.constant 0 : i32
      %scan3A_196 = arith.constant 64 : i32
      %scan3A_197 = arith.addi %scan3A_195, %scan3A_196 : i32
      %scan3A_198 = arith.constant 1 : i32
      scf.for %scan3A_220 = %scan3A_195 to %scan3A_197 step %scan3A_198  : i32 {
        %mul3A_221 = arith.constant 2 : i32
        %mul3A_222 = arith.muli %scan3A_220, %mul3A_221 : i32
        %add3A_223 = vector.broadcast %mul3A_222 : i32 to vector<16xi32>
        %add3A_224 = arith.addi %shift_right_arithmetic3A_12, %add3A_223 : vector<16xi32>
        %gather3A = tpu.vector_load_idx %arg15[%add3A_224, %and3A_10] : memref<128x16xf32, #tpu.memory_space<vmem>>[vector<16xi32>, vector<16xi32>], vector<16xf32>,
        %add3A_225 = arith.constant 8 : i32
        %add3A_226 = vector.broadcast %add3A_225 : i32 to vector<16xi32>
        %add3A_227 = arith.addi %and3A_10, %add3A_226 : vector<16xi32>
        %gather3A_228 = tpu.vector_load_idx %arg17[%add3A_224, %add3A_227] : memref<128x16xf32, #tpu.memory_space<vmem>>[vector<16xi32>, vector<16xi32>], vector<16xf32>,
        %add3A_229 = arith.addf %gather3A, %gather3A_228 : vector<16xf32>
        %ge3A = arith.constant 0.000000e+00 : f32
        %ge3A_230 = vector.broadcast %ge3A : f32 to vector<16xf32>
        %ge3A_231 = arith.cmpf oge, %add3A_229, %ge3A_230 : vector<16xf32>
        %mul3A_232 = arith.constant 2.000000e-01 : f32
        %mul3A_233 = vector.broadcast %mul3A_232 : f32 to vector<16xf32>
        %mul3A_234 = arith.mulf %mul3A_233, %add3A_229 : vector<16xf32>
        %select_n3A = arith.select %ge3A_231, %add3A_229, %mul3A_234 : vector<16xi1>, vector<16xf32>
        %exp3A = math.exp %select_n3A : vector<16xf32>
        tpu.vector_store_idx %arg19[%add3A_224, %and3A_10], %exp3A : memref<128x8xf32, #tpu.memory_space<vmem>>[vector<16xi32>, vector<16xi32>], vector<16xf32>,
      }
      %scan3A_199 = arith.constant 64 : i32
      %dma_start3A_200 = arith.constant 0 : i32
      %dma_start3A_201 = arith.constant 0 : i32
      %dma_start3A_202 = tpu.memref_slice %arg13[%dma_start3A_200, %dma_start3A_201] : memref<1x128xi32, #tpu.memory_space<vmem>> -> memref<1x128xi32, #tpu.memory_space<vmem>>
      %dma_start3A_203 = tpu.memref_squeeze %dma_start3A_202 : memref<1x128xi32, #tpu.memory_space<vmem>> -> memref<128xi32, #tpu.memory_space<vmem>>
      %dma_start3A_204 = arith.constant 0 : i32
      %dma_start3A_205 = arith.constant 0 : i32
      %dma_start3A_206 = tpu.memref_slice %arg32[%dma_start3A_204, %dma_start3A_205] : memref<10240x8xf32, #tpu.memory_space<vmem_shared>> -> memref<10240x8xf32, #tpu.memory_space<vmem_shared>>
      tpu.enqueue_indirect_dma source(%arg19 : memref<128x8xf32, #tpu.memory_space<vmem>>) target(%dma_start3A_206 : memref<10240x8xf32, #tpu.memory_space<vmem_shared>>) offsets(%dma_start3A_203 : memref<128xi32, #tpu.memory_space<vmem>>) semaphore(%arg29 : memref<!tpu.dma_semaphore, #tpu.memory_space<semaphore_mem>>) {add = true}
      %scan3A_207 = arith.constant 0 : i32
      %scan3A_208 = arith.constant 0 : i32
      %scan3A_209 = arith.constant 128 : i32
      %scan3A_210 = arith.addi %scan3A_208, %scan3A_209 : i32
      %scan3A_211 = arith.constant 1 : i32
      scf.for %scan3A_220 = %scan3A_208 to %scan3A_210 step %scan3A_211  : i32 {
        %broadcast_in_dim3A = vector.broadcast %scan3A_220 : i32 to vector<16xi32>
        %broadcast_in_dim3A_221 = arith.constant 0 : i32
        %broadcast_in_dim3A_222 = vector.broadcast %broadcast_in_dim3A_221 : i32 to vector<16xi32>
        %gather3A = tpu.vector_load_idx %arg19[%broadcast_in_dim3A, %broadcast_in_dim3A_222] : memref<128x8xf32, #tpu.memory_space<vmem>>[vector<16xi32>, vector<16xi32>], vector<16xf32>,
        %add3A_223 = arith.constant 0 : i32
        %add3A_224 = vector.broadcast %add3A_223 : i32 to vector<16xi32>
        %add3A_225 = arith.addi %iota3A, %add3A_224 : vector<16xi32>
        %gather3A_226 = tpu.vector_load_idx %arg21[%broadcast_in_dim3A, %add3A_225] : memref<128x128xf32, #tpu.memory_space<vmem>>[vector<16xi32>, vector<16xi32>], vector<16xf32>,
        %mul3A_227 = arith.mulf %gather3A_226, %gather3A : vector<16xf32>
        tpu.vector_store_idx %arg21[%broadcast_in_dim3A, %add3A_225], %mul3A_227 : memref<128x128xf32, #tpu.memory_space<vmem>>[vector<16xi32>, vector<16xi32>], vector<16xf32>,
        %broadcast_in_dim3A_228 = arith.constant 1 : i32
        %broadcast_in_dim3A_229 = vector.broadcast %broadcast_in_dim3A_228 : i32 to vector<16xi32>
        %gather3A_230 = tpu.vector_load_idx %arg19[%broadcast_in_dim3A, %broadcast_in_dim3A_229] : memref<128x8xf32, #tpu.memory_space<vmem>>[vector<16xi32>, vector<16xi32>], vector<16xf32>,
        %add3A_231 = arith.constant 16 : i32
        %add3A_232 = vector.broadcast %add3A_231 : i32 to vector<16xi32>
        %add3A_233 = arith.addi %iota3A, %add3A_232 : vector<16xi32>
        %gather3A_234 = tpu.vector_load_idx %arg21[%broadcast_in_dim3A, %add3A_233] : memref<128x128xf32, #tpu.memory_space<vmem>>[vector<16xi32>, vector<16xi32>], vector<16xf32>,
        %mul3A_235 = arith.mulf %gather3A_234, %gather3A_230 : vector<16xf32>
        tpu.vector_store_idx %arg21[%broadcast_in_dim3A, %add3A_233], %mul3A_235 : memref<128x128xf32, #tpu.memory_space<vmem>>[vector<16xi32>, vector<16xi32>], vector<16xf32>,
        %broadcast_in_dim3A_236 = arith.constant 2 : i32
        %broadcast_in_dim3A_237 = vector.broadcast %broadcast_in_dim3A_236 : i32 to vector<16xi32>
        %gather3A_238 = tpu.vector_load_idx %arg19[%broadcast_in_dim3A, %broadcast_in_dim3A_237] : memref<128x8xf32, #tpu.memory_space<vmem>>[vector<16xi32>, vector<16xi32>], vector<16xf32>,
        %add3A_239 = arith.constant 32 : i32
        %add3A_240 = vector.broadcast %add3A_239 : i32 to vector<16xi32>
        %add3A_241 = arith.addi %iota3A, %add3A_240 : vector<16xi32>
        %gather3A_242 = tpu.vector_load_idx %arg21[%broadcast_in_dim3A, %add3A_241] : memref<128x128xf32, #tpu.memory_space<vmem>>[vector<16xi32>, vector<16xi32>], vector<16xf32>,
        %mul3A_243 = arith.mulf %gather3A_242, %gather3A_238 : vector<16xf32>
        tpu.vector_store_idx %arg21[%broadcast_in_dim3A, %add3A_241], %mul3A_243 : memref<128x128xf32, #tpu.memory_space<vmem>>[vector<16xi32>, vector<16xi32>], vector<16xf32>,
        %broadcast_in_dim3A_244 = arith.constant 3 : i32
        %broadcast_in_dim3A_245 = vector.broadcast %broadcast_in_dim3A_244 : i32 to vector<16xi32>
        %gather3A_246 = tpu.vector_load_idx %arg19[%broadcast_in_dim3A, %broadcast_in_dim3A_245] : memref<128x8xf32, #tpu.memory_space<vmem>>[vector<16xi32>, vector<16xi32>], vector<16xf32>,
        %add3A_247 = arith.constant 48 : i32
        %add3A_248 = vector.broadcast %add3A_247 : i32 to vector<16xi32>
        %add3A_249 = arith.addi %iota3A, %add3A_248 : vector<16xi32>
        %gather3A_250 = tpu.vector_load_idx %arg21[%broadcast_in_dim3A, %add3A_249] : memref<128x128xf32, #tpu.memory_space<vmem>>[vector<16xi32>, vector<16xi32>], vector<16xf32>,
        %mul3A_251 = arith.mulf %gather3A_250, %gather3A_246 : vector<16xf32>
        tpu.vector_store_idx %arg21[%broadcast_in_dim3A, %add3A_249], %mul3A_251 : memref<128x128xf32, #tpu.memory_space<vmem>>[vector<16xi32>, vector<16xi32>], vector<16xf32>,
        %broadcast_in_dim3A_252 = arith.constant 4 : i32
        %broadcast_in_dim3A_253 = vector.broadcast %broadcast_in_dim3A_252 : i32 to vector<16xi32>
        %gather3A_254 = tpu.vector_load_idx %arg19[%broadcast_in_dim3A, %broadcast_in_dim3A_253] : memref<128x8xf32, #tpu.memory_space<vmem>>[vector<16xi32>, vector<16xi32>], vector<16xf32>,
        %add3A_255 = arith.constant 64 : i32
        %add3A_256 = vector.broadcast %add3A_255 : i32 to vector<16xi32>
        %add3A_257 = arith.addi %iota3A, %add3A_256 : vector<16xi32>
        %gather3A_258 = tpu.vector_load_idx %arg21[%broadcast_in_dim3A, %add3A_257] : memref<128x128xf32, #tpu.memory_space<vmem>>[vector<16xi32>, vector<16xi32>], vector<16xf32>,
        %mul3A_259 = arith.mulf %gather3A_258, %gather3A_254 : vector<16xf32>
        tpu.vector_store_idx %arg21[%broadcast_in_dim3A, %add3A_257], %mul3A_259 : memref<128x128xf32, #tpu.memory_space<vmem>>[vector<16xi32>, vector<16xi32>], vector<16xf32>,
        %broadcast_in_dim3A_260 = arith.constant 5 : i32
        %broadcast_in_dim3A_261 = vector.broadcast %broadcast_in_dim3A_260 : i32 to vector<16xi32>
        %gather3A_262 = tpu.vector_load_idx %arg19[%broadcast_in_dim3A, %broadcast_in_dim3A_261] : memref<128x8xf32, #tpu.memory_space<vmem>>[vector<16xi32>, vector<16xi32>], vector<16xf32>,
        %add3A_263 = arith.constant 80 : i32
        %add3A_264 = vector.broadcast %add3A_263 : i32 to vector<16xi32>
        %add3A_265 = arith.addi %iota3A, %add3A_264 : vector<16xi32>
        %gather3A_266 = tpu.vector_load_idx %arg21[%broadcast_in_dim3A, %add3A_265] : memref<128x128xf32, #tpu.memory_space<vmem>>[vector<16xi32>, vector<16xi32>], vector<16xf32>,
        %mul3A_267 = arith.mulf %gather3A_266, %gather3A_262 : vector<16xf32>
        tpu.vector_store_idx %arg21[%broadcast_in_dim3A, %add3A_265], %mul3A_267 : memref<128x128xf32, #tpu.memory_space<vmem>>[vector<16xi32>, vector<16xi32>], vector<16xf32>,
        %broadcast_in_dim3A_268 = arith.constant 6 : i32
        %broadcast_in_dim3A_269 = vector.broadcast %broadcast_in_dim3A_268 : i32 to vector<16xi32>
        %gather3A_270 = tpu.vector_load_idx %arg19[%broadcast_in_dim3A, %broadcast_in_dim3A_269] : memref<128x8xf32, #tpu.memory_space<vmem>>[vector<16xi32>, vector<16xi32>], vector<16xf32>,
        %add3A_271 = arith.constant 96 : i32
        %add3A_272 = vector.broadcast %add3A_271 : i32 to vector<16xi32>
        %add3A_273 = arith.addi %iota3A, %add3A_272 : vector<16xi32>
        %gather3A_274 = tpu.vector_load_idx %arg21[%broadcast_in_dim3A, %add3A_273] : memref<128x128xf32, #tpu.memory_space<vmem>>[vector<16xi32>, vector<16xi32>], vector<16xf32>,
        %mul3A_275 = arith.mulf %gather3A_274, %gather3A_270 : vector<16xf32>
        tpu.vector_store_idx %arg21[%broadcast_in_dim3A, %add3A_273], %mul3A_275 : memref<128x128xf32, #tpu.memory_space<vmem>>[vector<16xi32>, vector<16xi32>], vector<16xf32>,
        %broadcast_in_dim3A_276 = arith.constant 7 : i32
        %broadcast_in_dim3A_277 = vector.broadcast %broadcast_in_dim3A_276 : i32 to vector<16xi32>
        %gather3A_278 = tpu.vector_load_idx %arg19[%broadcast_in_dim3A, %broadcast_in_dim3A_277] : memref<128x8xf32, #tpu.memory_space<vmem>>[vector<16xi32>, vector<16xi32>], vector<16xf32>,
        %add3A_279 = arith.constant 112 : i32
        %add3A_280 = vector.broadcast %add3A_279 : i32 to vector<16xi32>
        %add3A_281 = arith.addi %iota3A, %add3A_280 : vector<16xi32>
        %gather3A_282 = tpu.vector_load_idx %arg21[%broadcast_in_dim3A, %add3A_281] : memref<128x128xf32, #tpu.memory_space<vmem>>[vector<16xi32>, vector<16xi32>], vector<16xf32>,
        %mul3A_283 = arith.mulf %gather3A_282, %gather3A_278 : vector<16xf32>
        tpu.vector_store_idx %arg21[%broadcast_in_dim3A, %add3A_281], %mul3A_283 : memref<128x128xf32, #tpu.memory_space<vmem>>[vector<16xi32>, vector<16xi32>], vector<16xf32>,
      }
      %scan3A_212 = arith.constant 128 : i32
      %dma_start3A_213 = arith.constant 0 : i32
      %dma_start3A_214 = arith.constant 0 : i32
      %dma_start3A_215 = tpu.memref_slice %arg13[%dma_start3A_213, %dma_start3A_214] : memref<1x128xi32, #tpu.memory_space<vmem>> -> memref<1x128xi32, #tpu.memory_space<vmem>>
      %dma_start3A_216 = tpu.memref_squeeze %dma_start3A_215 : memref<1x128xi32, #tpu.memory_space<vmem>> -> memref<128xi32, #tpu.memory_space<vmem>>
      %dma_start3A_217 = arith.constant 0 : i32
      %dma_start3A_218 = arith.constant 0 : i32
      %dma_start3A_219 = tpu.memref_slice %arg33[%dma_start3A_217, %dma_start3A_218] : memref<10240x128xf32, #tpu.memory_space<vmem_shared>> -> memref<10240x128xf32, #tpu.memory_space<vmem_shared>>
      tpu.enqueue_indirect_dma source(%arg21 : memref<128x128xf32, #tpu.memory_space<vmem>>) target(%dma_start3A_219 : memref<10240x128xf32, #tpu.memory_space<vmem_shared>>) offsets(%dma_start3A_216 : memref<128xi32, #tpu.memory_space<vmem>>) semaphore(%arg31 : memref<!tpu.dma_semaphore, #tpu.memory_space<semaphore_mem>>) {add = true}
    }
    %scan3A_43 = arith.constant 40 : i32
    %dma_wait3A = arith.constant 0 : i32
    %dma_wait3A_44 = arith.constant 0 : i32
    %dma_wait3A_45 = tpu.memref_slice %arg13[%dma_wait3A, %dma_wait3A_44] : memref<1x128xi32, #tpu.memory_space<vmem>> -> memref<1x128xi32, #tpu.memory_space<vmem>>
    %dma_wait3A_46 = tpu.memref_squeeze %dma_wait3A_45 : memref<1x128xi32, #tpu.memory_space<vmem>> -> memref<128xi32, #tpu.memory_space<vmem>>
    %dma_wait3A_47 = arith.constant 0 : i32
    %dma_wait3A_48 = arith.constant 0 : i32
    %dma_wait3A_49 = tpu.memref_slice %arg32[%dma_wait3A_47, %dma_wait3A_48] : memref<10240x8xf32, #tpu.memory_space<vmem_shared>> -> memref<10240x8xf32, #tpu.memory_space<vmem_shared>>
    tpu.wait_indirect_dma semaphore(%arg29 : memref<!tpu.dma_semaphore, #tpu.memory_space<semaphore_mem>>) src(%arg19 : memref<128x8xf32, #tpu.memory_space<vmem>>) dst(%dma_wait3A_49 : memref<10240x8xf32, #tpu.memory_space<vmem_shared>>)
    %dma_wait3A_50 = arith.constant 0 : i32
    %dma_wait3A_51 = arith.constant 0 : i32
    %dma_wait3A_52 = tpu.memref_slice %arg13[%dma_wait3A_50, %dma_wait3A_51] : memref<1x128xi32, #tpu.memory_space<vmem>> -> memref<1x128xi32, #tpu.memory_space<vmem>>
    %dma_wait3A_53 = tpu.memref_squeeze %dma_wait3A_52 : memref<1x128xi32, #tpu.memory_space<vmem>> -> memref<128xi32, #tpu.memory_space<vmem>>
    %dma_wait3A_54 = arith.constant 0 : i32
    %dma_wait3A_55 = arith.constant 0 : i32
    %dma_wait3A_56 = tpu.memref_slice %arg33[%dma_wait3A_54, %dma_wait3A_55] : memref<10240x128xf32, #tpu.memory_space<vmem_shared>> -> memref<10240x128xf32, #tpu.memory_space<vmem_shared>>
    tpu.wait_indirect_dma semaphore(%arg31 : memref<!tpu.dma_semaphore, #tpu.memory_space<semaphore_mem>>) src(%arg21 : memref<128x128xf32, #tpu.memory_space<vmem>>) dst(%dma_wait3A_56 : memref<10240x128xf32, #tpu.memory_space<vmem_shared>>)
    %barrier3A_57 = arith.constant 0 : index
    tpu.barrier barrier_id(%barrier3A_57)
    %mul3A_58 = arith.constant 640 : i32
    %mul3A_59 = arith.muli %arg1, %mul3A_58 : i32
    %mul3A_60 = arith.constant 10240 : i32
    %mul3A_61 = arith.muli %arg0, %mul3A_60 : i32
    %mul3A_62 = arith.constant 640 : i32
    %mul3A_63 = arith.muli %arg1, %mul3A_62 : i32
    %add3A_64 = arith.addi %mul3A_61, %mul3A_63 : i32
    "tpu.region"() ({
      %run_scoped3A = tpu.sem_alloc : memref<!tpu.dma_semaphore, #tpu.memory_space<semaphore_mem>>
      %dma_start3A_72 = arith.constant 0 : i32
      %dma_start3A_73 = tpu.memref_slice %arg8[%add3A_64, %dma_start3A_72] : memref<20480x8xf32, #tpu.memory_space<hbm>> -> memref<640x8xf32, #tpu.memory_space<hbm>>
      %dma_start3A_74 = arith.constant 0 : i32
      %dma_start3A_75 = tpu.memref_slice %arg32[%mul3A_59, %dma_start3A_74] : memref<10240x8xf32, #tpu.memory_space<vmem_shared>> -> memref<640x8xf32, #tpu.memory_space<vmem_shared>>
      tpu.enqueue_dma source(%dma_start3A_75 : memref<640x8xf32, #tpu.memory_space<vmem_shared>>) target(%dma_start3A_73 : memref<640x8xf32, #tpu.memory_space<hbm>>) target_semaphore(%run_scoped3A : memref<!tpu.dma_semaphore, #tpu.memory_space<semaphore_mem>>)
      %dma_wait3A_76 = arith.constant 0 : i32
      %dma_wait3A_77 = tpu.memref_slice %arg8[%add3A_64, %dma_wait3A_76] : memref<20480x8xf32, #tpu.memory_space<hbm>> -> memref<640x8xf32, #tpu.memory_space<hbm>>
      %dma_wait3A_78 = arith.constant 0 : i32
      %dma_wait3A_79 = tpu.memref_slice %arg32[%mul3A_59, %dma_wait3A_78] : memref<10240x8xf32, #tpu.memory_space<vmem_shared>> -> memref<640x8xf32, #tpu.memory_space<vmem_shared>>
      tpu.wait_dma2 semaphore(%run_scoped3A : memref<!tpu.dma_semaphore, #tpu.memory_space<semaphore_mem>>) src(%dma_wait3A_79 : memref<640x8xf32, #tpu.memory_space<vmem_shared>>) dst(%dma_wait3A_77 : memref<640x8xf32, #tpu.memory_space<hbm>>)
      tpu.yield
    }) : () -> ()
    %mul3A_65 = arith.constant 640 : i32
    %mul3A_66 = arith.muli %arg1, %mul3A_65 : i32
    %mul3A_67 = arith.constant 10240 : i32
    %mul3A_68 = arith.muli %arg0, %mul3A_67 : i32
    %mul3A_69 = arith.constant 640 : i32
    %mul3A_70 = arith.muli %arg1, %mul3A_69 : i32
    %add3A_71 = arith.addi %mul3A_68, %mul3A_70 : i32
    "tpu.region"() ({
      %run_scoped3A = tpu.sem_alloc : memref<!tpu.dma_semaphore, #tpu.memory_space<semaphore_mem>>
      %dma_start3A_72 = arith.constant 0 : i32
      %dma_start3A_73 = tpu.memref_slice %arg9[%add3A_71, %dma_start3A_72] : memref<20480x128xf32, #tpu.memory_space<hbm>> -> memref<640x128xf32, #tpu.memory_space<hbm>>
      %dma_start3A_74 = arith.constant 0 : i32
      %dma_start3A_75 = tpu.memref_slice %arg33[%mul3A_66, %dma_start3A_74] : memref<10240x128xf32, #tpu.memory_space<vmem_shared>> -> memref<640x128xf32, #tpu.memory_space<vmem_shared>>
      tpu.enqueue_dma source(%dma_start3A_75 : memref<640x128xf32, #tpu.memory_space<vmem_shared>>) target(%dma_start3A_73 : memref<640x128xf32, #tpu.memory_space<hbm>>) target_semaphore(%run_scoped3A : memref<!tpu.dma_semaphore, #tpu.memory_space<semaphore_mem>>)
      %dma_wait3A_76 = arith.constant 0 : i32
      %dma_wait3A_77 = tpu.memref_slice %arg9[%add3A_71, %dma_wait3A_76] : memref<20480x128xf32, #tpu.memory_space<hbm>> -> memref<640x128xf32, #tpu.memory_space<hbm>>
      %dma_wait3A_78 = arith.constant 0 : i32
      %dma_wait3A_79 = tpu.memref_slice %arg33[%mul3A_66, %dma_wait3A_78] : memref<10240x128xf32, #tpu.memory_space<vmem_shared>> -> memref<640x128xf32, #tpu.memory_space<vmem_shared>>
      tpu.wait_dma2 semaphore(%run_scoped3A : memref<!tpu.dma_semaphore, #tpu.memory_space<semaphore_mem>>) src(%dma_wait3A_79 : memref<640x128xf32, #tpu.memory_space<vmem_shared>>) dst(%dma_wait3A_77 : memref<640x128xf32, #tpu.memory_space<hbm>>)
      tpu.yield
    }) : () -> ()
    return
  }
}

module attributes {stable_mosaic.version = 14 : i64} {
  func.func @_dense_in_body(%arg0: i32, %arg1: memref<2048x128xf32, #tpu.memory_space<vmem>>, %arg2: memref<128x128xf32, #tpu.memory_space<vmem>>, %arg3: memref<128x16xf32, #tpu.memory_space<vmem>>, %arg4: memref<2048x128xf32, #tpu.memory_space<vmem>>, %arg5: memref<2048x16xf32, #tpu.memory_space<vmem>>) attributes {dimension_semantics = [#tpu.dimension_semantics<arbitrary>], iteration_bounds = array<i64: 5>, scalar_prefetch = 0 : i64, scratch_operands = 0 : i64, tpu.core_type = #tpu.core_type<tc>, window_params = [{transform_indices = @transform_0, window_bounds = array<i64: 2048, 128>}, {pipeline_mode = #tpu.pipeline_mode<synchronous>, transform_indices = @transform_1, window_bounds = array<i64: 128, 128>}, {pipeline_mode = #tpu.pipeline_mode<synchronous>, transform_indices = @transform_2, window_bounds = array<i64: 128, 16>}, {transform_indices = @transform_3, window_bounds = array<i64: 2048, 128>}, {transform_indices = @transform_4, window_bounds = array<i64: 2048, 16>}]} {
    %get3A = arith.constant 0 : index
    %get3A_0 = arith.constant 0 : index
    %get3A_1 = vector.load %arg1[%get3A, %get3A_0] : memref<2048x128xf32, #tpu.memory_space<vmem>>, vector<2048x128xf32>
    %get3A_2 = arith.constant 0 : index
    %get3A_3 = arith.constant 0 : index
    %get3A_4 = vector.load %arg2[%get3A_2, %get3A_3] : memref<128x128xf32, #tpu.memory_space<vmem>>, vector<128x128xf32>
    %dot_general3A = arith.constant dense<0.000000e+00> : vector<2048x128xf32>
    %dot_general3A_5 = tpu.matmul %get3A_1, %get3A_4, %dot_general3A {dimension_numbers = #tpu.dot_dimension_numbers<[1], [0], [0], [1], [0, 0, 1, 1], [], []>, transpose_lhs_hint = false} : vector<2048x128xf32>, vector<128x128xf32>, vector<2048x128xf32> -> vector<2048x128xf32>
    %swap3A = arith.constant 0 : index
    %swap3A_6 = arith.constant 0 : index
    %swap3A_7 = vector.load %arg4[%swap3A, %swap3A_6] : memref<2048x128xf32, #tpu.memory_space<vmem>>, vector<2048x128xf32>
    tpu.vector_store %arg4[%swap3A, %swap3A_6], %dot_general3A_5 {strides = array<i32>} : memref<2048x128xf32, #tpu.memory_space<vmem>>, vector<2048x128xf32>,
    %get3A_8 = arith.constant 0 : index
    %get3A_9 = arith.constant 0 : index
    %get3A_10 = vector.load %arg3[%get3A_8, %get3A_9] : memref<128x16xf32, #tpu.memory_space<vmem>>, vector<128x16xf32>
    %dot_general3A_11 = arith.constant dense<0.000000e+00> : vector<2048x16xf32>
    %dot_general3A_12 = tpu.matmul %dot_general3A_5, %get3A_10, %dot_general3A_11 {dimension_numbers = #tpu.dot_dimension_numbers<[1], [0], [0], [1], [0, 0, 1, 1], [], []>, transpose_lhs_hint = false} : vector<2048x128xf32>, vector<128x16xf32>, vector<2048x16xf32> -> vector<2048x16xf32>
    %swap3A_13 = arith.constant 0 : index
    %swap3A_14 = arith.constant 0 : index
    %swap3A_15 = vector.load %arg5[%swap3A_13, %swap3A_14] : memref<2048x16xf32, #tpu.memory_space<vmem>>, vector<2048x16xf32>
    tpu.vector_store %arg5[%swap3A_13, %swap3A_14], %dot_general3A_12 {strides = array<i32>} : memref<2048x16xf32, #tpu.memory_space<vmem>>, vector<2048x16xf32>,
    return
  }
  func.func @transform_0(%arg0: i32) -> (i32, i32) {
    %c0_i32 = arith.constant 0 : i32
    %c0_i32_0 = arith.constant 0 : i32
    return %arg0, %c0_i32 : i32, i32
  }
  func.func @transform_1(%arg0: i32) -> (i32, i32) {
    %c0_i32 = arith.constant 0 : i32
    %c0_i32_0 = arith.constant 0 : i32
    %c0_i32_1 = arith.constant 0 : i32
    return %c0_i32, %c0_i32_0 : i32, i32
  }
  func.func @transform_2(%arg0: i32) -> (i32, i32) {
    %c0_i32 = arith.constant 0 : i32
    %c0_i32_0 = arith.constant 0 : i32
    %c0_i32_1 = arith.constant 0 : i32
    return %c0_i32, %c0_i32_0 : i32, i32
  }
  func.func @transform_3(%arg0: i32) -> (i32, i32) {
    %c0_i32 = arith.constant 0 : i32
    %c0_i32_0 = arith.constant 0 : i32
    return %arg0, %c0_i32 : i32, i32
  }
  func.func @transform_4(%arg0: i32) -> (i32, i32) {
    %c0_i32 = arith.constant 0 : i32
    %c0_i32_0 = arith.constant 0 : i32
    return %arg0, %c0_i32 : i32, i32
  }
}

module attributes {stable_mosaic.version = 14 : i64} {
  func.func @_dense_out_body(%arg0: i32, %arg1: memref<1024x128xf32, #tpu.memory_space<vmem>>, %arg2: memref<1024x128xf32, #tpu.memory_space<vmem>>, %arg3: memref<1024x128xf32, #tpu.memory_space<vmem>>, %arg4: memref<1024x8xf32, #tpu.memory_space<vmem>>, %arg5: memref<1024x8xf32, #tpu.memory_space<vmem>>, %arg6: memref<1024x128xf32, #tpu.memory_space<vmem>>, %arg7: memref<1024x16xf32, #tpu.memory_space<vmem>>, %arg8: memref<8x128xf32, #tpu.memory_space<vmem>>, %arg9: memref<1x128xf32, #tpu.memory_space<vmem>>, %arg10: memref<128x512xf32, #tpu.memory_space<vmem>>, %arg11: memref<1x512xf32, #tpu.memory_space<vmem>>, %arg12: memref<512x128xf32, #tpu.memory_space<vmem>>, %arg13: memref<1x128xf32, #tpu.memory_space<vmem>>, %arg14: memref<1x128xf32, #tpu.memory_space<vmem>>, %arg15: memref<1x128xf32, #tpu.memory_space<vmem>>, %arg16: memref<1x128xf32, #tpu.memory_space<vmem>>, %arg17: memref<1x128xf32, #tpu.memory_space<vmem>>, %arg18: memref<1024x128xf32, #tpu.memory_space<vmem>>) attributes {dimension_semantics = [#tpu.dimension_semantics<arbitrary>], iteration_bounds = array<i64: 10>, scalar_prefetch = 0 : i64, scratch_operands = 0 : i64, tpu.core_type = #tpu.core_type<tc>, window_params = [{transform_indices = @transform_0, window_bounds = array<i64: 1024, 128>}, {transform_indices = @transform_1, window_bounds = array<i64: 1024, 128>}, {transform_indices = @transform_2, window_bounds = array<i64: 1024, 128>}, {transform_indices = @transform_3, window_bounds = array<i64: 1024, 8>}, {transform_indices = @transform_4, window_bounds = array<i64: 1024, 8>}, {transform_indices = @transform_5, window_bounds = array<i64: 1024, 128>}, {transform_indices = @transform_6, window_bounds = array<i64: 1024, 16>}, {pipeline_mode = #tpu.pipeline_mode<synchronous>, transform_indices = @transform_7, window_bounds = array<i64: 8, 128>}, {pipeline_mode = #tpu.pipeline_mode<synchronous>, transform_indices = @transform_8, window_bounds = array<i64: 1, 128>}, {pipeline_mode = #tpu.pipeline_mode<synchronous>, transform_indices = @transform_9, window_bounds = array<i64: 128, 512>}, {pipeline_mode = #tpu.pipeline_mode<synchronous>, transform_indices = @transform_10, window_bounds = array<i64: 1, 512>}, {pipeline_mode = #tpu.pipeline_mode<synchronous>, transform_indices = @transform_11, window_bounds = array<i64: 512, 128>}, {pipeline_mode = #tpu.pipeline_mode<synchronous>, transform_indices = @transform_12, window_bounds = array<i64: 1, 128>}, {pipeline_mode = #tpu.pipeline_mode<synchronous>, transform_indices = @transform_13, window_bounds = array<i64: 1, 128>}, {pipeline_mode = #tpu.pipeline_mode<synchronous>, transform_indices = @transform_14, window_bounds = array<i64: 1, 128>}, {pipeline_mode = #tpu.pipeline_mode<synchronous>, transform_indices = @transform_15, window_bounds = array<i64: 1, 128>}, {pipeline_mode = #tpu.pipeline_mode<synchronous>, transform_indices = @transform_16, window_bounds = array<i64: 1, 128>}, {transform_indices = @transform_17, window_bounds = array<i64: 1024, 128>}]} {
    %get3A = arith.constant 0 : index
    %get3A_0 = arith.constant 0 : index
    %get3A_1 = vector.load %arg7[%get3A, %get3A_0] : memref<1024x16xf32, #tpu.memory_space<vmem>>, vector<1024x16xf32>
    %slice3A = vector.extract_strided_slice %get3A_1 {offsets = [0, 0], sizes = [1024, 8], strides = [1, 1]} : vector<1024x16xf32> to vector<1024x8xf32>
    %slice3A_2 = vector.extract_strided_slice %get3A_1 {offsets = [0, 8], sizes = [1024, 8], strides = [1, 1]} : vector<1024x16xf32> to vector<1024x8xf32>
    %add3A = arith.addf %slice3A, %slice3A_2 : vector<1024x8xf32>
    %ge3A = arith.constant 0.000000e+00 : f32
    %ge3A_3 = vector.broadcast %ge3A : f32 to vector<1024x8xf32>
    %ge3A_4 = arith.cmpf oge, %add3A, %ge3A_3 : vector<1024x8xf32>
    %mul3A = arith.constant 2.000000e-01 : f32
    %mul3A_5 = vector.broadcast %mul3A : f32 to vector<1024x8xf32>
    %mul3A_6 = arith.mulf %mul3A_5, %add3A : vector<1024x8xf32>
    %select_n3A = arith.select %ge3A_4, %add3A, %mul3A_6 : vector<1024x8xi1>, vector<1024x8xf32>
    %exp3A = math.exp %select_n3A : vector<1024x8xf32>
    %get3A_7 = arith.constant 0 : index
    %get3A_8 = arith.constant 0 : index
    %get3A_9 = vector.load %arg8[%get3A_7, %get3A_8] : memref<8x128xf32, #tpu.memory_space<vmem>>, vector<8x128xf32>
    %dot_general3A = arith.constant dense<0.000000e+00> : vector<1024x128xf32>
    %dot_general3A_10 = tpu.matmul %exp3A, %get3A_9, %dot_general3A {dimension_numbers = #tpu.dot_dimension_numbers<[1], [0], [0], [1], [0, 0, 1, 1], [], []>, transpose_lhs_hint = false} : vector<1024x8xf32>, vector<8x128xf32>, vector<1024x128xf32> -> vector<1024x128xf32>
    %get3A_11 = arith.constant 0 : index
    %get3A_12 = arith.constant 0 : index
    %get3A_13 = vector.load %arg2[%get3A_11, %get3A_12] : memref<1024x128xf32, #tpu.memory_space<vmem>>, vector<1024x128xf32>
    %get3A_14 = arith.constant 0 : index
    %get3A_15 = arith.constant 0 : index
    %get3A_16 = vector.load %arg3[%get3A_14, %get3A_15] : memref<1024x128xf32, #tpu.memory_space<vmem>>, vector<1024x128xf32>
    %add3A_17 = arith.addf %get3A_13, %get3A_16 : vector<1024x128xf32>
    %get3A_18 = arith.constant 0 : index
    %get3A_19 = arith.constant 0 : index
    %get3A_20 = vector.load %arg6[%get3A_18, %get3A_19] : memref<1024x128xf32, #tpu.memory_space<vmem>>, vector<1024x128xf32>
    %mul3A_21 = arith.mulf %dot_general3A_10, %get3A_20 : vector<1024x128xf32>
    %add3A_22 = arith.addf %add3A_17, %mul3A_21 : vector<1024x128xf32>
    %get3A_23 = arith.constant 0 : index
    %get3A_24 = arith.constant 0 : index
    %get3A_25 = vector.load %arg4[%get3A_23, %get3A_24] : memref<1024x8xf32, #tpu.memory_space<vmem>>, vector<1024x8xf32>
    %get3A_26 = arith.constant 0 : index
    %get3A_27 = arith.constant 0 : index
    %get3A_28 = vector.load %arg5[%get3A_26, %get3A_27] : memref<1024x8xf32, #tpu.memory_space<vmem>>, vector<1024x8xf32>
    %add3A_29 = arith.addf %get3A_25, %get3A_28 : vector<1024x8xf32>
    %add3A_30 = arith.addf %add3A_29, %exp3A : vector<1024x8xf32>
    %add3A_31 = arith.constant 1.000000e-16 : f32
    %add3A_32 = vector.broadcast %add3A_31 : f32 to vector<1024x8xf32>
    %add3A_33 = arith.addf %add3A_30, %add3A_32 : vector<1024x8xf32>
    %div3A = arith.constant 1.000000e+00 : f32
    %div3A_34 = vector.broadcast %div3A : f32 to vector<1024x8xf32>
    %div3A_35 = arith.divf %div3A_34, %add3A_33 : vector<1024x8xf32>
    %get3A_36 = arith.constant 0 : index
    %get3A_37 = arith.constant 0 : index
    %get3A_38 = vector.load %arg8[%get3A_36, %get3A_37] : memref<8x128xf32, #tpu.memory_space<vmem>>, vector<8x128xf32>
    %dot_general3A_39 = arith.constant dense<0.000000e+00> : vector<1024x128xf32>
    %dot_general3A_40 = tpu.matmul %div3A_35, %get3A_38, %dot_general3A_39 {dimension_numbers = #tpu.dot_dimension_numbers<[1], [0], [0], [1], [0, 0, 1, 1], [], []>, transpose_lhs_hint = false} : vector<1024x8xf32>, vector<8x128xf32>, vector<1024x128xf32> -> vector<1024x128xf32>
    %mul3A_41 = arith.mulf %add3A_22, %dot_general3A_40 : vector<1024x128xf32>
    %get3A_42 = arith.constant 0 : index
    %get3A_43 = arith.constant 0 : index
    %get3A_44 = vector.load %arg9[%get3A_42, %get3A_43] : memref<1x128xf32, #tpu.memory_space<vmem>>, vector<1x128xf32>
    %add3A_45 = vector.broadcast %get3A_44 : vector<1x128xf32> to vector<1024x128xf32>
    %add3A_46 = arith.addf %mul3A_41, %add3A_45 : vector<1024x128xf32>
    %get3A_47 = arith.constant 0 : index
    %get3A_48 = arith.constant 0 : index
    %get3A_49 = vector.load %arg1[%get3A_47, %get3A_48] : memref<1024x128xf32, #tpu.memory_space<vmem>>, vector<1024x128xf32>
    %add3A_50 = arith.addf %get3A_49, %add3A_46 : vector<1024x128xf32>
    %reduce_sum3A = arith.constant dense<0.000000e+00> : vector<1024xf32>
    %reduce_sum3A_51 = vector.multi_reduction <add>, %add3A_50, %reduce_sum3A [1] : vector<1024x128xf32> to vector<1024xf32>
    %broadcast_in_dim3A = vector.shape_cast %reduce_sum3A_51 : vector<1024xf32> to vector<1024x1xf32>
    %div3A_52 = arith.constant 1.280000e+02 : f32
    %div3A_53 = vector.broadcast %div3A_52 : f32 to vector<1024x1xf32>
    %div3A_54 = arith.divf %broadcast_in_dim3A, %div3A_53 : vector<1024x1xf32>
    %sub3A = vector.broadcast %div3A_54 : vector<1024x1xf32> to vector<1024x128xf32>
    %sub3A_55 = arith.subf %add3A_50, %sub3A : vector<1024x128xf32>
    %integer_pow3A = arith.mulf %sub3A_55, %sub3A_55 : vector<1024x128xf32>
    %reduce_sum3A_56 = arith.constant dense<0.000000e+00> : vector<1024xf32>
    %reduce_sum3A_57 = vector.multi_reduction <add>, %integer_pow3A, %reduce_sum3A_56 [1] : vector<1024x128xf32> to vector<1024xf32>
    %broadcast_in_dim3A_58 = vector.shape_cast %reduce_sum3A_57 : vector<1024xf32> to vector<1024x1xf32>
    %div3A_59 = arith.constant 1.280000e+02 : f32
    %div3A_60 = vector.broadcast %div3A_59 : f32 to vector<1024x1xf32>
    %div3A_61 = arith.divf %broadcast_in_dim3A_58, %div3A_60 : vector<1024x1xf32>
    %sub3A_62 = vector.broadcast %div3A_54 : vector<1024x1xf32> to vector<1024x128xf32>
    %sub3A_63 = arith.subf %add3A_50, %sub3A_62 : vector<1024x128xf32>
    %add3A_64 = arith.constant 9.99999974E-6 : f32
    %add3A_65 = vector.broadcast %add3A_64 : f32 to vector<1024x1xf32>
    %add3A_66 = arith.addf %div3A_61, %add3A_65 : vector<1024x1xf32>
    %rsqrt3A = math.rsqrt %add3A_66 : vector<1024x1xf32>
    %mul3A_67 = vector.broadcast %rsqrt3A : vector<1024x1xf32> to vector<1024x128xf32>
    %mul3A_68 = arith.mulf %sub3A_63, %mul3A_67 : vector<1024x128xf32>
    %get3A_69 = arith.constant 0 : index
    %get3A_70 = arith.constant 0 : index
    %get3A_71 = vector.load %arg14[%get3A_69, %get3A_70] : memref<1x128xf32, #tpu.memory_space<vmem>>, vector<1x128xf32>
    %mul3A_72 = vector.broadcast %get3A_71 : vector<1x128xf32> to vector<1024x128xf32>
    %mul3A_73 = arith.mulf %mul3A_68, %mul3A_72 : vector<1024x128xf32>
    %get3A_74 = arith.constant 0 : index
    %get3A_75 = arith.constant 0 : index
    %get3A_76 = vector.load %arg15[%get3A_74, %get3A_75] : memref<1x128xf32, #tpu.memory_space<vmem>>, vector<1x128xf32>
    %add3A_77 = vector.broadcast %get3A_76 : vector<1x128xf32> to vector<1024x128xf32>
    %add3A_78 = arith.addf %mul3A_73, %add3A_77 : vector<1024x128xf32>
    %get3A_79 = arith.constant 0 : index
    %get3A_80 = arith.constant 0 : index
    %get3A_81 = vector.load %arg10[%get3A_79, %get3A_80] : memref<128x512xf32, #tpu.memory_space<vmem>>, vector<128x512xf32>
    %dot_general3A_82 = arith.constant dense<0.000000e+00> : vector<1024x512xf32>
    %dot_general3A_83 = tpu.matmul %add3A_78, %get3A_81, %dot_general3A_82 {dimension_numbers = #tpu.dot_dimension_numbers<[1], [0], [0], [1], [0, 0, 1, 1], [], []>, transpose_lhs_hint = false} : vector<1024x128xf32>, vector<128x512xf32>, vector<1024x512xf32> -> vector<1024x512xf32>
    %get3A_84 = arith.constant 0 : index
    %get3A_85 = arith.constant 0 : index
    %get3A_86 = vector.load %arg11[%get3A_84, %get3A_85] : memref<1x512xf32, #tpu.memory_space<vmem>>, vector<1x512xf32>
    %add3A_87 = vector.broadcast %get3A_86 : vector<1x512xf32> to vector<1024x512xf32>
    %add3A_88 = arith.addf %dot_general3A_83, %add3A_87 : vector<1024x512xf32>
    %max3A = arith.constant 0.000000e+00 : f32
    %max3A_89 = vector.broadcast %max3A : f32 to vector<1024x512xf32>
    %max3A_90 = arith.maximumf %add3A_88, %max3A_89 : vector<1024x512xf32>
    %get3A_91 = arith.constant 0 : index
    %get3A_92 = arith.constant 0 : index
    %get3A_93 = vector.load %arg12[%get3A_91, %get3A_92] : memref<512x128xf32, #tpu.memory_space<vmem>>, vector<512x128xf32>
    %dot_general3A_94 = arith.constant dense<0.000000e+00> : vector<1024x128xf32>
    %dot_general3A_95 = tpu.matmul %max3A_90, %get3A_93, %dot_general3A_94 {dimension_numbers = #tpu.dot_dimension_numbers<[1], [0], [0], [1], [0, 0, 1, 1], [], []>, transpose_lhs_hint = false} : vector<1024x512xf32>, vector<512x128xf32>, vector<1024x128xf32> -> vector<1024x128xf32>
    %get3A_96 = arith.constant 0 : index
    %get3A_97 = arith.constant 0 : index
    %get3A_98 = vector.load %arg13[%get3A_96, %get3A_97] : memref<1x128xf32, #tpu.memory_space<vmem>>, vector<1x128xf32>
    %add3A_99 = vector.broadcast %get3A_98 : vector<1x128xf32> to vector<1024x128xf32>
    %add3A_100 = arith.addf %dot_general3A_95, %add3A_99 : vector<1024x128xf32>
    %add3A_101 = arith.addf %add3A_78, %add3A_100 : vector<1024x128xf32>
    %reduce_sum3A_102 = arith.constant dense<0.000000e+00> : vector<1024xf32>
    %reduce_sum3A_103 = vector.multi_reduction <add>, %add3A_101, %reduce_sum3A_102 [1] : vector<1024x128xf32> to vector<1024xf32>
    %broadcast_in_dim3A_104 = vector.shape_cast %reduce_sum3A_103 : vector<1024xf32> to vector<1024x1xf32>
    %div3A_105 = arith.constant 1.280000e+02 : f32
    %div3A_106 = vector.broadcast %div3A_105 : f32 to vector<1024x1xf32>
    %div3A_107 = arith.divf %broadcast_in_dim3A_104, %div3A_106 : vector<1024x1xf32>
    %sub3A_108 = vector.broadcast %div3A_107 : vector<1024x1xf32> to vector<1024x128xf32>
    %sub3A_109 = arith.subf %add3A_101, %sub3A_108 : vector<1024x128xf32>
    %integer_pow3A_110 = arith.mulf %sub3A_109, %sub3A_109 : vector<1024x128xf32>
    %reduce_sum3A_111 = arith.constant dense<0.000000e+00> : vector<1024xf32>
    %reduce_sum3A_112 = vector.multi_reduction <add>, %integer_pow3A_110, %reduce_sum3A_111 [1] : vector<1024x128xf32> to vector<1024xf32>
    %broadcast_in_dim3A_113 = vector.shape_cast %reduce_sum3A_112 : vector<1024xf32> to vector<1024x1xf32>
    %div3A_114 = arith.constant 1.280000e+02 : f32
    %div3A_115 = vector.broadcast %div3A_114 : f32 to vector<1024x1xf32>
    %div3A_116 = arith.divf %broadcast_in_dim3A_113, %div3A_115 : vector<1024x1xf32>
    %sub3A_117 = vector.broadcast %div3A_107 : vector<1024x1xf32> to vector<1024x128xf32>
    %sub3A_118 = arith.subf %add3A_101, %sub3A_117 : vector<1024x128xf32>
    %add3A_119 = arith.constant 9.99999974E-6 : f32
    %add3A_120 = vector.broadcast %add3A_119 : f32 to vector<1024x1xf32>
    %add3A_121 = arith.addf %div3A_116, %add3A_120 : vector<1024x1xf32>
    %rsqrt3A_122 = math.rsqrt %add3A_121 : vector<1024x1xf32>
    %mul3A_123 = vector.broadcast %rsqrt3A_122 : vector<1024x1xf32> to vector<1024x128xf32>
    %mul3A_124 = arith.mulf %sub3A_118, %mul3A_123 : vector<1024x128xf32>
    %get3A_125 = arith.constant 0 : index
    %get3A_126 = arith.constant 0 : index
    %get3A_127 = vector.load %arg16[%get3A_125, %get3A_126] : memref<1x128xf32, #tpu.memory_space<vmem>>, vector<1x128xf32>
    %mul3A_128 = vector.broadcast %get3A_127 : vector<1x128xf32> to vector<1024x128xf32>
    %mul3A_129 = arith.mulf %mul3A_124, %mul3A_128 : vector<1024x128xf32>
    %get3A_130 = arith.constant 0 : index
    %get3A_131 = arith.constant 0 : index
    %get3A_132 = vector.load %arg17[%get3A_130, %get3A_131] : memref<1x128xf32, #tpu.memory_space<vmem>>, vector<1x128xf32>
    %add3A_133 = vector.broadcast %get3A_132 : vector<1x128xf32> to vector<1024x128xf32>
    %add3A_134 = arith.addf %mul3A_129, %add3A_133 : vector<1024x128xf32>
    %swap3A = arith.constant 0 : index
    %swap3A_135 = arith.constant 0 : index
    %swap3A_136 = vector.load %arg18[%swap3A, %swap3A_135] : memref<1024x128xf32, #tpu.memory_space<vmem>>, vector<1024x128xf32>
    tpu.vector_store %arg18[%swap3A, %swap3A_135], %add3A_134 {strides = array<i32>} : memref<1024x128xf32, #tpu.memory_space<vmem>>, vector<1024x128xf32>,
    return
  }
  func.func @transform_0(%arg0: i32) -> (i32, i32) {
    %c0_i32 = arith.constant 0 : i32
    %c0_i32_0 = arith.constant 0 : i32
    return %arg0, %c0_i32 : i32, i32
  }
  func.func @transform_1(%arg0: i32) -> (i32, i32) {
    %c0_i32 = arith.constant 0 : i32
    %c0_i32_0 = arith.constant 0 : i32
    return %arg0, %c0_i32 : i32, i32
  }
  func.func @transform_2(%arg0: i32) -> (i32, i32) {
    %add3A = arith.constant 10 : i32
    %add3A_0 = arith.addi %arg0, %add3A : i32
    %c0_i32 = arith.constant 0 : i32
    %c0_i32_1 = arith.constant 0 : i32
    return %add3A_0, %c0_i32 : i32, i32
  }
  func.func @transform_3(%arg0: i32) -> (i32, i32) {
    %c0_i32 = arith.constant 0 : i32
    %c0_i32_0 = arith.constant 0 : i32
    return %arg0, %c0_i32 : i32, i32
  }
  func.func @transform_4(%arg0: i32) -> (i32, i32) {
    %add3A = arith.constant 10 : i32
    %add3A_0 = arith.addi %arg0, %add3A : i32
    %c0_i32 = arith.constant 0 : i32
    %c0_i32_1 = arith.constant 0 : i32
    return %add3A_0, %c0_i32 : i32, i32
  }
  func.func @transform_5(%arg0: i32) -> (i32, i32) {
    %c0_i32 = arith.constant 0 : i32
    %c0_i32_0 = arith.constant 0 : i32
    return %arg0, %c0_i32 : i32, i32
  }
  func.func @transform_6(%arg0: i32) -> (i32, i32) {
    %c0_i32 = arith.constant 0 : i32
    %c0_i32_0 = arith.constant 0 : i32
    return %arg0, %c0_i32 : i32, i32
  }
  func.func @transform_7(%arg0: i32) -> (i32, i32) {
    %c0_i32 = arith.constant 0 : i32
    %c0_i32_0 = arith.constant 0 : i32
    %c0_i32_1 = arith.constant 0 : i32
    return %c0_i32, %c0_i32_0 : i32, i32
  }
  func.func @transform_8(%arg0: i32) -> (i32, i32) {
    %c0_i32 = arith.constant 0 : i32
    %c0_i32_0 = arith.constant 0 : i32
    %c0_i32_1 = arith.constant 0 : i32
    return %c0_i32, %c0_i32_0 : i32, i32
  }
  func.func @transform_9(%arg0: i32) -> (i32, i32) {
    %c0_i32 = arith.constant 0 : i32
    %c0_i32_0 = arith.constant 0 : i32
    %c0_i32_1 = arith.constant 0 : i32
    return %c0_i32, %c0_i32_0 : i32, i32
  }
  func.func @transform_10(%arg0: i32) -> (i32, i32) {
    %c0_i32 = arith.constant 0 : i32
    %c0_i32_0 = arith.constant 0 : i32
    %c0_i32_1 = arith.constant 0 : i32
    return %c0_i32, %c0_i32_0 : i32, i32
  }
  func.func @transform_11(%arg0: i32) -> (i32, i32) {
    %c0_i32 = arith.constant 0 : i32
    %c0_i32_0 = arith.constant 0 : i32
    %c0_i32_1 = arith.constant 0 : i32
    return %c0_i32, %c0_i32_0 : i32, i32
  }
  func.func @transform_12(%arg0: i32) -> (i32, i32) {
    %c0_i32 = arith.constant 0 : i32
    %c0_i32_0 = arith.constant 0 : i32
    %c0_i32_1 = arith.constant 0 : i32
    return %c0_i32, %c0_i32_0 : i32, i32
  }
  func.func @transform_13(%arg0: i32) -> (i32, i32) {
    %c0_i32 = arith.constant 0 : i32
    %c0_i32_0 = arith.constant 0 : i32
    %c0_i32_1 = arith.constant 0 : i32
    return %c0_i32, %c0_i32_0 : i32, i32
  }
  func.func @transform_14(%arg0: i32) -> (i32, i32) {
    %c0_i32 = arith.constant 0 : i32
    %c0_i32_0 = arith.constant 0 : i32
    %c0_i32_1 = arith.constant 0 : i32
    return %c0_i32, %c0_i32_0 : i32, i32
  }
  func.func @transform_15(%arg0: i32) -> (i32, i32) {
    %c0_i32 = arith.constant 0 : i32
    %c0_i32_0 = arith.constant 0 : i32
    %c0_i32_1 = arith.constant 0 : i32
    return %c0_i32, %c0_i32_0 : i32, i32
  }
  func.func @transform_16(%arg0: i32) -> (i32, i32) {
    %c0_i32 = arith.constant 0 : i32
    %c0_i32_0 = arith.constant 0 : i32
    %c0_i32_1 = arith.constant 0 : i32
    return %c0_i32, %c0_i32_0 : i32, i32
  }
  func.func @transform_17(%arg0: i32) -> (i32, i32) {
    %c0_i32 = arith.constant 0 : i32
    %c0_i32_0 = arith.constant 0 : i32
    return %arg0, %c0_i32 : i32, i32
  }
}

</mosaic_0001>

<sc_bundles>
// kernel: kernel.5.cloned.1.call-start
scs
__scs_entry_jumppad:
0x0: {  	(pc) =	sbr.rel $0x88, $3  }
0x1: {  	(tag) =	ssettag $0x0;
	lr =	simm.s32 $0x1  }
0x2: {  	[smem:$0x3F93] =	sst lr;
	_ =	strace $0xD0000000  }
0x3: {  	_ = 	snop  }
0x4: {  	_ = 	snop  }
0x5: {  	_ = 	snop  }
0x6: {  	_ = 	snop  }
0x7: {  	_ = 	snop  }
__scs_overlays_trampoline_lowered:
0x8: {  	[smem:$0x3FA2] =	sst s0  }
0x9: {  	[smem:$0x3FA3] =	sst s1  }
0xa: {  	[smem:$0x3FA4] =	sst s2  }
0xb: {  	[smem:$0x3FA5] =	sst s3  }
0xc: {  	[smem:$0x3FA6] =	sst s4  }
0xd: {  	[smem:$0x3FA7] =	sst s5  }
0xe: {  	[smem:$0x3FA8] =	sst s6  }
0xf: {  	[smem:$0x3FA9] =	sst s7  }
0x10: {  	[smem:$0x3FAA] =	sst s8  }
0x11: {  	[smem:$0x3FAB] =	sst s9;
	s0 =	simm.s32 @!p0 $0x0  }
0x12: {  	s1 =	sld [smem:$0x3F91];
	s0 =	simm.s32 @p0 $0x1  }
0x13: {  	[smem:$0x3FAC] =	sst s0;
	s0 =	simm.s32 @!p1 $0x0  }
0x14: {  	s2 =	sld [smem:$0x3F90];
	s0 =	simm.s32 @p1 $0x1  }
0x15: {  	[smem:$0x3FAD] =	sst s0;
	s0 =	simm.s32 @!p2 $0x0  }
0x16: {  	s3 =	sld [smem:$0x3FDB];
	s0 =	simm.s32 @p2 $0x1  }
0x17: {  	s4 =	simm.s32 $0x1BF5;
	[smem:$0x3FAF] =	sst s0  }
0x18: {  	s0 =	sld [smem:$0x3F92];
	_ =	swait.ge [sflag:s4], $0x0  }
0x19: {  	s7 =	sld [smem:$0x3F93]  }
0x1a: {  	s8 =	sadd.s32 $0xFFFFE003, lr  }
0x1b: {  	s9 =	sadd.s32 $0xFFFFFEF7, lr;
	s5 =	simm.s32 $0xFFFFFFFF;
	p2 =	slt.u32 s8, $0xFFFFF086  }
0x1c: {  	p1 =	slt.u32 s9, $0xF7A;
	s5 =	simm.s32 @!p2 $0x0  }
0x1d: {  	s5 =	simm.s32 @p1 $0x1;
	p0 =	seq.s32 s7, s2  }
0x1e: {  	s7 =	smul.u32 @!p0 $0xF7A, s2;
	p2 =	seq.s32 @!p0 s5, $0x0  }
0x1f: {  	s9 =	smul.u32 $0xF7A, s1;
	s8 =	simm.s32 @!p0 $0x1BF5;
	p2 =	por !p2, p0  }
0x20: {  	[sflag:s8] =	ssyncset.s32 @!p0 $0xFFFFF086;
	s6 =	sadd.s32 @!p0 s3, s7;
	s7 =	simm.s32 @!p0 $0x108  }
0x21: {  	s3 =	sadd.s32 s3, s9;
	s6 =	sadd.s32 @!p0 $0x88, s6;
	s7 =	simm.s32 @p2 $0x1082  }
0x22: {  	[simem:s7], [sflag:s8] =	dma.local @!p0 [hbm:s6], $0xF7A  }
0x23: {  	s9 =	sor.u32 $0xD0000000, s2;
	s6 =	simm.s32 $0x108;
	_ =	swait.ge @!p0 [sflag:s8], $0x0  }
0x24: {  	s3 =	sadd.s32 $0x88, s3;
	s6 =	simm.s32 @!p1 $0x1082;
	[sflag:s4] =	ssyncset.s32 $0xFFFFF086  }
0x25: {  	[simem:s6], [sflag:s4] =	dma.local [hbm:s3], $0xF7A  }
0x26: {  	[smem:$0x3F93] =	sst s1;
	(tag) =	ssettag s2;
	_ =	strace s9  }
0x27: {  	s1 =	sld [smem:$0x3FA3]  }
0x28: {  	s2 =	sld [smem:$0x3FA4]  }
0x29: {  	s4 =	sld [smem:$0x3FA6]  }
0x2a: {  	p0 =	seq.s32 s5, $0x0;
	s5 =	sld [smem:$0x3FA7]  }
0x2b: {  	s6 =	sld [smem:$0x3FA8]  }
0x2c: {  	s7 =	sld [smem:$0x3FA9]  }
0x2d: {  	s3 =	simm.s32 $0x108;
	s8 =	sld [smem:$0x3FAA]  }
0x2e: {  	s3 =	simm.s32 @!p0 $0x1082;
	s9 =	sld [smem:$0x3FAB]  }
0x2f: {  	lr =	sadd.s32 s0, s3;
	s0 =	sld [smem:$0x3FA2]  }
0x30: {  	s3 =	sld [smem:$0x3FA5]  }
0x31: {  	[smem:$0x3FAE] =	sst s10  }
0x32: {  	s10 =	sld [smem:$0x3FAC];
	_ =	sdelay $0x3  }
0x33: {  	p0 =	seq.s32 s10, $0x1;
	s10 =	sld [smem:$0x3FAE];
	_ =	sdelay $0x3  }
0x34: {  	[smem:$0x3FAE] =	sst s10  }
0x35: {  	s10 =	sld [smem:$0x3FAD];
	_ =	sdelay $0x3  }
0x36: {  	p1 =	seq.s32 s10, $0x1;
	s10 =	sld [smem:$0x3FAE];
	_ =	sdelay $0x3  }
0x37: {  	[smem:$0x3FAE] =	sst s10  }
0x38: {  	s10 =	sld [smem:$0x3FAF]  }
0x39: {  	_ = 	snop;
	(pc) =	sbr.ind lr, $3  }
0x3a: {  	_ = 	snop  }
0x3b: {  	_ = 	snop  }
0x3c: {  	p2 =	seq.s32 s10, $0x1;
	s10 =	sld [smem:$0x3FAE]  }
0x3d: {  	_ =	shalt  }
0x3e: {  	_ =	shalt  }
0x3f: {  	_ =	shalt  }
0x40: {  	_ =	shalt  }
0x41: {  	_ =	shalt  }
0x42: {  	_ =	shalt  }
0x43: {  	_ =	shalt  }
0x44: {  	_ =	shalt  }
0x45: {  	_ =	shalt  }
0x46: {  	_ =	shalt  }
0x47: {  	_ =	shalt  }
0x48: {  	_ =	shalt  }
0x49: {  	_ =	shalt  }
0x4a: {  	_ =	shalt  }
0x4b: {  	_ =	shalt  }
0x4c: {  	_ =	shalt  }
0x4d: {  	_ =	shalt  }
0x4e: {  	_ =	shalt  }
0x4f: {  	_ =	shalt  }
0x50: {  	_ =	shalt  }
0x51: {  	_ =	shalt  }
0x52: {  	_ =	shalt  }
0x53: {  	_ =	shalt  }
0x54: {  	_ =	shalt  }
0x55: {  	_ =	shalt  }
0x56: {  	_ =	shalt  }
0x57: {  	_ =	shalt  }
0x58: {  	_ =	shalt  }
0x59: {  	_ =	shalt  }
0x5a: {  	_ =	shalt  }
0x5b: {  	_ =	shalt  }
0x5c: {  	_ =	shalt  }
0x5d: {  	_ =	shalt  }
0x5e: {  	_ =	shalt  }
0x5f: {  	_ =	shalt  }
0x60: {  	_ =	shalt  }
0x61: {  	_ =	shalt  }
0x62: {  	_ =	shalt  }
0x63: {  	_ =	shalt  }
0x64: {  	_ =	shalt  }
0x65: {  	_ =	shalt  }
0x66: {  	_ =	shalt  }
0x67: {  	_ =	shalt  }
0x68: {  	_ =	shalt  }
0x69: {  	_ =	shalt  }
0x6a: {  	_ =	shalt  }
0x6b: {  	_ =	shalt  }
0x6c: {  	_ =	shalt  }
0x6d: {  	_ =	shalt  }
0x6e: {  	_ =	shalt  }
0x6f: {  	_ =	shalt  }
0x70: {  	_ =	shalt  }
0x71: {  	_ =	shalt  }
0x72: {  	_ =	shalt  }
0x73: {  	_ =	shalt  }
0x74: {  	_ =	shalt  }
0x75: {  	_ =	shalt  }
0x76: {  	_ =	shalt  }
0x77: {  	_ =	shalt  }
0x78: {  	_ =	shalt  }
0x79: {  	_ =	shalt  }
0x7a: {  	_ =	shalt  }
0x7b: {  	_ =	shalt  }
0x7c: {  	_ =	shalt  }
0x7d: {  	_ =	shalt  }
0x7e: {  	_ =	shalt  }
0x7f: {  	_ =	shalt  }
0x80: {  	_ =	shalt  }
0x81: {  	_ =	shalt  }
0x82: {  	_ =	shalt  }
0x83: {  	_ =	shalt  }
0x84: {  	_ =	shalt  }
0x85: {  	_ =	shalt  }
0x86: {  	_ =	shalt  }
0x87: {  	_ =	shalt  }
.Lfunc_end0:
.L_simem_size_0:
called_computation_lowered:
.L_overlay_start_0:
0x88: {  	s2 =	sld [smem:$0x3FD9]  }
0x89: {  	s3 =	sld [smem:$0x3FFE];
	_ =	sdelay $0x1  }
0x8a: {  	s1 =	srdreg.scid  }
0x8b: {  	s0 =	sand.u32 $0x1, s1  }
0x8c: {  	s17 =	sshll.u32 s0, $0xA;
	s2 =	sadd.s32 s3, s2  }
0x8d: {  	s2 =	sadd.s32 s2, s17  }
0x8e: {  	[smem:$0x3FBA] =	sst s2  }
0x8f: {  	_ = 	snop  }
0x90: {  	s2 =	sld [smem:$0x3FD0];
	(tm) =	ssettm $0x1  }
0x91: {  	s18 =	sld [smem:$0x3FFB];
	_ =	sdelay $0x3  }
0x92: {  	_ =	strace s18  }
0x93: {  	s3 =	sld [smem:$0x3FFC];
	_ =	sdelay $0x3  }
0x94: {  	_ =	strace s3  }
0x95: {  	s3 =	sld [smem:$0x3FFD];
	_ =	sdelay $0x3  }
0x96: {  	_ =	strace s3  }
0x97: {  	_ =	strace $0x8FFFFFFF  }
0x98: {  	s19 =	sld [smem:$0x3FDB];
	_ =	sdelay $0x1  }
0x99: {  	s4 =	simm.s32 $_scs_section_size  }
0x9a: {  	s5 =	simm.s32 $_size__tile_overlayer_lowered;
	s6 =	simm.s32 $_tile_overlayer_lowered  }
0x9b: {  	s22 =	simm.s32 $0x1BFF;
	s21 =	sshll.u32 s6, $0x1;
	s3 =	sadd.s32 s4, s19  }
0x9c: {  	s7 =	simm.s32 $0x0;
	s20 =	sshll.u32 s5, $0x1;
	s5 =	sadd.s32 s21, s3  }
0x9d: {  	[timem:s7], [sflag:s22] =	dma.local [hbm:s5], s20  }
0x9e: {  	_ =	swait.ge [sflag:s22], s20  }
0x9f: {  	s4 =	ssub.s32 $0x0, s20;
	[sflag:s22] =	ssyncset.done $0x0  }
0xa0: {  	[sflag:s22] =	ssyncadd.s32 s4;
	_ =	sdelay $0x1  }
0xa1: {  	s23 =	simm.s32 $0x1B8B  }
0xa2: {  	_ =	swait.ge [sflag:s23], $0x1  }
0xa3: {  	[sflag:s23] =	ssyncset.done $0x0  }
0xa4: {  	s25 =	simm.s32 $0x1B8E;
	s24 =	sld [smem:$0x3FFE];
	[sflag:s23] =	ssyncadd.s32 $0xFFFFFFFF  }
0xa5: {  	s26 =	simm.s32 $execute0_lowered;
	[smem:$0x3FD2] =	sst s25  }
0xa6: {  	s5 =	sshll.u32 s26, $0x1;
	_ =	strace $0x80000046;
	[dreg:$0x1] =	wrdreg $0xFFFFFFFF  }
0xa7: {  	s28 =	simm.s32 $_size_execute0_lowered;
	s3 =	sadd.s32 s3, s5;
	[dreg:$0x0] =	wrdreg $0x0  }
0xa8: {  	s5 =	sshll.u32 s28, $0x1;
	[dreg:$0x2] =	wrdreg s3  }
0xa9: {  	[dreg:$0x3] =	wrdreg s5  }
0xaa: {  	[dreg:$0x4] =	wrdreg $0xC0  }
0xab: {  	_ =	task [dreg:s7], $0x5FFFF  }
0xac: {  	[dreg:$0x1] =	wrdreg $0xFFFFFFFF  }
0xad: {  	[dreg:$0x0] =	wrdreg $0x60  }
0xae: {  	[dreg:$0x2] =	wrdreg s2  }
0xaf: {  	[dreg:$0x3] =	wrdreg s24  }
0xb0: {  	[dreg:$0x4] =	wrdreg $0xAA000  }
0xb1: {  	[dreg:$0x5] =	wrdreg $0xBE000  }
0xb2: {  	[dreg:$0x6] =	wrdreg $0x9  }
0xb3: {  	_ =	task.clear_ibuf [dreg:s7], $0x7FFFF;
	_ =	strace $0x90000046  }
0xb4: {  	s29 =	simm.s32 $0x9;
	_ =	strace $0x80000048  }
0xb5: {  	_ =	swait.ge [sflag:s29], $0x1  }
0xb6: {  	[sflag:s29] =	ssyncadd.s32 $0xFFFFFFFF  }
0xb7: {  	_ =	strace $0x90000048  }
0xb8: {  	_ =	sfence  }
0xb9: {  	s30 =	sld [smem:$0x0];
	_ =	sdelay $0x2  }
0xba: {  	s31 =	sshll.u32 s1, $0xD;
	s1 =	sshrl.u32 s1, $0x2  }
0xbb: {  	s3 =	sand.u32 $0x4000, s31;
	s1 =	sadd.s32 s1, s30  }
0xbc: {  	s0 =	sor.u32 s3, s0;
	s1 =	sshll.u32 s1, $0x11  }
0xbd: {  	s0 =	sor.u32 s1, s0  }
0xbe: {  	s0 =	sadd.s32 $0x8F2B, s0  }
0xbf: {  	[sflag:s0] =	ssyncadd.remote.s32 $0x1  }
0xc0: {  	_ =	sfence.sel $0xFFFF  }
0xc1: {  	[dreg:$0x0] =	wrdreg $0xFFFFFFFF;
	(pc) =	sbr.abs _section_cstart, $3  }
0xc2: {  	[dreg:$0x1] =	wrdreg $0xFFFFFFFF  }
0xc3: {  	_ =	task.clear_ibuf [dreg:s7], $0x2FFFF;
	_ =	strace $0x9FFFFFFF  }
0xc4: {  	(tm) =	ssettm $0x7FFFFFFF  }
0xc5: {  	_ =	shalt  }
tec
execute0_lowered:
.L_overlay_start_1:
0x0: {  	(tag) =	ssettag $0x1  }
0x1: {  	s3 =	rddreg [dreg:$0x0]  }
0x2: {  	s0 =	rddreg [dreg:$0x1]  }
0x3: {  	s4 =	rddreg [dreg:$0x2]  }
0x4: {  	s17 =	rddreg [dreg:$0x3];
	s2 =	stileid.u32  }
0x5: {  	s7 =	simm.s32 $0x0;
	s6 =	srdreg.scid;
	s28 =	simm.s32 $0x180  }
0x6: {  	s29 =	simm.s32 $0xA00;
	s30 =	simm.s32 $0x1A00;
	s1 =	smul.u32 $0x1400, s2  }
0x7: {  	s31 =	simm.s32 $0x6A00;
	s5 =	smul.u32 $0x14000, s2;
	[smem:$0x7FF] =	sst s7  }
0x8: {  	s9 =	sand.u32 $0x1, s6;
	s10 =	smul.u32 $0x280, s2;
	s6 =	sadd.s32 $0x2F400, s0  }
0x9: {  	s7 =	sadd.s32 $0x2A400, s0;
	s8 =	sadd.s32 $0x2400, s0;
	s16 =	sshll.u32 s2, $0x1  }
0xa: {  	s18 =	sshll.u32 s2, $0x6;
	_ =	strace $0x80000047;
	s11 =	smul.u32 $0x2800, s9  }
0xb: {  	s14 =	ssub.s32 $0x2, s9;
	s9 =	sor.u32 s9, s16;
	s20 =	sor.u32 $0x1C0B, s18  }
0xc: {  	s18 =	simm.s32 $0x6;
	s12 =	sshrl.u32 s1, $0x3;
	s13 =	sshrl.u32 s5, $0x3  }
0xd: {  	s15 =	sshrl.u32 s14, $0x1;
	s1 =	sadd.s32 s1, s4;
	s19 =	smul.u32 $0x500, s9  }
0xe: {  	s9 =	smul.u32 $0x50, s9;
	s22 =	sadd.s32 s5, s17;
	s4 =	smov.u32 s3  }
0xf: {  	s5 =	simm.s32 $0x0;
	[dreg:$0x6] =	wrdreg s20;
	s12 =	sadd.s32 s12, s0  }
0x10: {  	s10 =	sadd.s32 s10, s11;
	s24 =	sadd.s32 s13, s0;
	s26 =	ssub.s32 s14, s15  }
0x11: {  	s15 =	smov.u32 s17;
	[dreg:$0x7] =	wrdreg s22;
	s22 =	simm.s32 $0x100  }
0x12: {  	s11 =	simm.s32 $0x2200;
	s13 =	simm.s32 $0x9;
	s14 =	simm.s32 $0x2  }
0x13: {  	s17 =	simm.s32 $0x4;
	s25 =	sadd.s32 s10, s0;
	s21 =	sadd.s32 $0x39400, s12  }
0x14: {  	s10 =	sshll.u32 s10, $0x4;
	s23 =	sadd.s32 $0x3BC00, s24;
	[dreg:$0x5] =	wrdreg s21  }
0x15: {  	s3 =	sadd.s32 s3, s19;
	s2 =	sadd.s32 s6, s19;
	[dreg:$0x8] =	wrdreg s23  }
0x16: {  	s24 =	sor.u32 $0x1, s9;
	s16 =	sor.u32 $0x2, s9;
	[dreg:$0x9] =	wrdreg s3  }
0x17: {  	s26 =	smax.u32 s26, $0x1;
	s9 =	simm.s32 $0x5;
	[dreg:$0xa] =	wrdreg s2  }
0x18: {  	s12 =	simm.s32 $0x7;
	s19 =	simm.s32 $0x2600;
	[dreg:$0xb] =	wrdreg s24  }
0x19: {  	v0 =	vlaneseq.u32;
	s0 =	sadd.s32 s10, s0;
	s25 =	sadd.s32 $0x63C00, s25;
	[dreg:$0xe] =	wrdreg s26  }
0x1a: {  	v1 =	vshrl.u32 v0, $0x3;
	s3 =	sshrl.u32 s1, $0x3;
	s21 =	simm.s32 $0xB;
	s23 =	simm.s32 $0x80  }
0x1b: {  	v2 =	vand.u32 $0x7, v0;
	v3 =	vor.u32 $0x8, v0;
	v4 =	vor.u32 $0x10, v0;
	s24 =	simm.s32 $0x200;
	s26 =	simm.s32 $0x2A00;
	[dreg:$0xc] =	wrdreg s25  }
0x1c: {  	v5 =	vor.u32 $0x20, v0;
	v6 =	vor.u32 $0x30, v0;
	v7 =	vor.u32 $0x40, v0;
	s1 =	simm.s32 $0x3;
	s0 =	sadd.s32 $0x68C00, s0;
	[dreg:$0xf] =	wrdreg s3  }
0x1d: {  	v8 =	vor.u32 $0x50, v0;
	v9 =	vor.u32 $0x60, v0;
	v10 =	vor.u32 $0x70, v0;
	s25 =	simm.s32 $0x1200;
	[dreg:$0xd] =	wrdreg s0;
	s0 =	simm.s32 $0x1  }
.LBB2_1:
0x1e: {  	[dreg:$0x10] =	wrdreg s5  }
0x1f: {  	s2 =	rddreg [dreg:$0x5]  }
0x20: {  	[spmem:s3], [sflag:s20] =	dma.local [hbm:s2], $0x280  }
0x21: {  	_ =	swait.ge [sflag:s21], $0x280  }
0x22: {  	s3 =	rddreg [dreg:$0x7]  }
0x23: {  	[sflag:s21] =	ssyncset.done $0x0;
	s10 =	rddreg [dreg:$0x8];
	s5 =	sshrl.u32 s3, $0x3  }
0x24: {  	[sflag:s21] =	ssyncadd.s32 $0xFFFFFD80;
	[dreg:$0x11] =	wrdreg s5  }
0x25: {  	[spmem:s5], [sflag:s20] =	dma.local [hbm:s10], $0x2800  }
0x26: {  	_ =	swait.ge [sflag:s21], $0x2800  }
0x27: {  	[sflag:s21] =	ssyncset.done $0x0  }
0x28: {  	[sflag:s21] =	ssyncadd.s32 $0xFFFFD800  }
0x29: {  	[bflag:$0x0] =	sbarrier.arrive $0xFFFF  }
0x2a: {  	s5 =	simm.s32 $0x0;
	s10 =	rddreg [dreg:$0x9]  }
0x2b: {  	[tilespmem:s5], [sflag:$0xB] =	stream.linear.gather [hbm4b:s10+s5], $0x80, $0x38;
	[tilespmem:$0x1FE00] =	vst v63  }
0x2c: {  	_ =	swait.ge [sflag:s21], $0x80  }
0x2d: {  	[sflag:s21] =	ssyncset.done $0x0  }
0x2e: {  	s20 =	rddreg [dreg:$0xa];
	[sflag:s21] =	ssyncadd.s32 $0xFFFFFF80  }
0x2f: {  	[tilespmem:s22], [sflag:$0xB] =	stream.linear.gather [hbm4b:s20+s5], $0x80, $0x38;
	[tilespmem:$0x1FE00] =	vst v63  }
0x30: {  	_ =	swait.ge [sflag:s21], $0x80  }
0x31: {  	[sflag:s21] =	ssyncset.done $0x0  }
0x32: {  	[sflag:s21] =	ssyncadd.s32 $0xFFFFFF80  }
0x33: {  	[tilespmem:s24], [sflag:$0x1] =	stream.indirect.gather [hbm4b:s7+s23], $0x10, s5, s23, $0xb8;
	[tilespmem:$0x1FE00] =	vst v63  }
0x34: {  	_ = 	snop  }
0x35: {  	[tilespmem:s25], [sflag:$0x3] =	stream.indirect.gather [hbm4b:s7+s23], $0x10, s22, s23, $0xb8;
	[tilespmem:$0x1FE00] =	vst v63  }
0x36: {  	s20 =	simm.s32 $0x0  }
0x37: {  	[tilespmem:s26], [sflag:$0x5] =	stream.indirect.gather [hbm4b:s8+s23], $0x80, s5, s23, $0xb8;
	[tilespmem:$0x1FE00] =	vst v63  }
.LBB2_2:
0x38: {  	p0 =	seq.s32 s20, $0x0  }
0x39: {  	s5 =	simm.s32 @!p0 $0x8  }
0x3a: {  	_ =	swait.ge @!p0 [sflag:s5], $0x400  }
0x3b: {  	s10 =	sshll.u32 s20, $0x1;
	[sflag:s5] =	ssyncset.done @!p0 $0x0;
	s2 =	rddreg [dreg:$0xb]  }
0x3c: {  	[sflag:s5] =	ssyncadd.s32 @!p0 $0xFFFFFC00;
	s5 =	simm.s32 @!p0 $0xA;
	s2 =	sadd.s32 s10, s2  }
0x3d: {  	_ =	swait.ge @!p0 [sflag:s5], $0x4000;
	s2 =	sshll.u32 s2, $0x4  }
0x3e: {  	[sflag:s5] =	ssyncset.done @!p0 $0x0;
	s2 =	sand.u32 $0x1FFFFFF0, s2  }
0x3f: {  	s3 =	simm.s32 $0x0;
	[sflag:s5] =	ssyncadd.s32 @!p0 $0xFFFFC000;
	s5 =	sadd.s32 s4, s2  }
0x40: {  	[tilespmem:s23], [sflag:$0xB] =	stream.linear.gather [hbm4b:s5+s3], $0x80, $0x38;
	[tilespmem:$0x1FE00] =	vst v63  }
0x41: {  	_ =	swait.ge [sflag:s21], $0x80  }
0x42: {  	[sflag:s21] =	ssyncset.done $0x0  }
0x43: {  	s2 =	sadd.s32 s6, s2;
	[sflag:s21] =	ssyncadd.s32 $0xFFFFFF80  }
0x44: {  	[tilespmem:s28], [sflag:$0xB] =	stream.linear.gather [hbm4b:s2+s3], $0x80, $0x38;
	[tilespmem:$0x1FE00] =	vst v63  }
0x45: {  	_ =	swait.ge [sflag:s21], $0x80  }
0x46: {  	[sflag:s21] =	ssyncset.done $0x0  }
0x47: {  	[sflag:s21] =	ssyncadd.s32 $0xFFFFFF80  }
0x48: {  	[tilespmem:s29], [sflag:$0x2] =	stream.indirect.gather [hbm4b:s7+s23], $0x10, s23, s23, $0xb8;
	[tilespmem:$0x1FE00] =	vst v63  }
0x49: {  	_ = 	snop  }
0x4a: {  	[tilespmem:s30], [sflag:$0x4] =	stream.indirect.gather [hbm4b:s7+s23], $0x10, s28, s23, $0xb8;
	[tilespmem:$0x1FE00] =	vst v63  }
0x4b: {  	_ = 	snop  }
0x4c: {  	[tilespmem:s31], [sflag:$0x6] =	stream.indirect.gather [hbm4b:s8+s23], $0x80, s23, s23, $0xb8;
	[tilespmem:$0x1FE00] =	vst v63  }
0x4d: {  	_ =	swait.ge [sflag:s0], $0x800  }
0x4e: {  	[sflag:s0] =	ssyncset.done $0x0  }
0x4f: {  	v12 =	vor.u32 s3, v1;
	[sflag:s0] =	ssyncadd.s32 $0xFFFFF800  }
0x50: {  	v11 =	vshll.u32 v12, $0x4;
	_ =	swait.ge [sflag:s1], $0x800  }
0x51: {  	v13 =	vor.u32 v3, v11;
	[sflag:s1] =	ssyncset.done $0x0  }
0x52: {  	v11 =	vor.u32 v2, v11;
	[sflag:s1] =	ssyncadd.s32 $0xFFFFF800  }
0x53: {  	_ =	swait.ge [sflag:s9], $0x4000  }
0x54: {  	[sflag:s9] =	ssyncset.done $0x0  }
0x55: {  	[sflag:s9] =	ssyncadd.s32 $0xFFFFC000  }
0x56: {  	v13 =	vld.idx.msk [tilespmem:v13+s25+$0x0], $0xffff  }
0x57: {  	v11 =	vld.idx.msk [tilespmem:v11+s24+$0x0], $0xffff;
	_ =	sdelay $0x4  }
0x58: {  	v11 =	vadd.f32 v13, v11;
	_ =	sdelay $0x1  }
0x59: {  	v13 =	vmul.f32 $2.000000030e-01, v11  }
0x5a: {  	vm0 =	vge.f32 v11, $0.0e+00  }
0x5b: {  	v11 =	vsel vm0, v11, v13  }
0x5c: {  	v13 =	vmul.f32 $1.442695020e+00, v11;
	_ =	sdelay $0x1  }
0x5d: {  	(erf) = vpow2.f32 v13;
	_ =	sdelay $0x2  }
0x5e: {  	s5 =	simm.s32 $0x2  }
0x5f: {  	v12 =	vshll.u32 v12, $0x3;
	v11 =	vor.u32 s5, v1  }
0x60: {  	v12 =	vor.u32 v2, v12;
	s5 =	simm.s32 $0x4;
	v13 =	vshll.u32 v11, $0x4  }
.LBB2_3:
0x61: {  	p0 =	sne.s32 s5, $0x7E;
	v14 =	vor.u32 v3, v13  }
0x62: {  	v13 =	vor.u32 v2, v13;
	_ =	sdelay $0x1  }
0x63: {  	v15 =	vpop (erf)  }
0x64: {  	[tilespmem:v12+s11+$0x0] =	vst.idx.msk $0xffff, v15  }
0x65: {  	v12 =	vld.idx.msk [tilespmem:v14+s25+$0x0], $0xffff  }
0x66: {  	v13 =	vld.idx.msk [tilespmem:v13+s24+$0x0], $0xffff;
	_ =	sdelay $0x5  }
0x67: {  	v12 =	vadd.f32 v12, v13;
	_ =	sdelay $0x1  }
0x68: {  	v13 =	vmul.f32 $2.000000030e-01, v12  }
0x69: {  	vm0 =	vge.f32 v12, $0.0e+00  }
0x6a: {  	v12 =	vsel vm0, v12, v13  }
0x6b: {  	v12 =	vmul.f32 $1.442695020e+00, v12;
	_ =	sdelay $0x1  }
0x6c: {  	(erf) = vpow2.f32 v12  }
.Ltmp0:
0x6d: {  	(pc) =	sbr.rel @p0 .LBB2_3-.Ltmp0, $3  }
0x6e: {  	_ =	sdelay $0x1  }
0x6f: {  	v12 =	vshll.u32 v11, $0x3;
	v11 =	vor.u32 s5, v1  }
0x70: {  	s5 =	sadd.s32 $0x2, s5;
	v13 =	vshll.u32 v11, $0x4;
	v12 =	vor.u32 v2, v12  }
0x71: {  	v14 =	vor.u32 v3, v13  }
0x72: {  	v13 =	vor.u32 v2, v13;
	_ =	sdelay $0x1  }
0x73: {  	v15 =	vpop (erf)  }
0x74: {  	[tilespmem:v12+s11+$0x0] =	vst.idx.msk $0xffff, v15  }
0x75: {  	v12 =	vld.idx.msk [tilespmem:v14+s25+$0x0], $0xffff  }
0x76: {  	v13 =	vld.idx.msk [tilespmem:v13+s24+$0x0], $0xffff;
	_ =	sdelay $0x4  }
0x77: {  	v12 =	vadd.f32 v12, v13;
	_ =	sdelay $0x1  }
0x78: {  	v13 =	vmul.f32 $2.000000030e-01, v12  }
0x79: {  	vm0 =	vge.f32 v12, $0.0e+00  }
0x7a: {  	v12 =	vsel vm0, v12, v13  }
0x7b: {  	v12 =	vmul.f32 $1.442695020e+00, v12;
	_ =	sdelay $0x1  }
0x7c: {  	(erf) = vpow2.f32 v12;
	_ =	sdelay $0x3  }
0x7d: {  	v11 =	vshll.u32 v11, $0x3  }
0x7e: {  	s2 =	simm.s32 $0x0;
	v11 =	vor.u32 v2, v11  }
0x7f: {  	v12 =	vmov s2  }
0x80: {  	v13 =	vshll.u32 v12, $0x3;
	v12 =	vshll.u32 v12, $0x7  }
0x81: {  	v14 =	vor.u32 v0, v12  }
0x82: {  	v15 =	vpop (erf)  }
0x83: {  	s5 =	rddreg [dreg:$0x2];
	[tilespmem:v11+s11+$0x0] =	vst.idx.msk $0xffff, v15  }
0x84: {  	[spmem:s5] =	stream.indirect.scatter.add.f32 [tilespmem:s11], [sflag:$0x7], $0x8, s22, s23, $0xb8;
	[tilespmem:$0x1FE00] =	vst v63  }
0x85: {  	v11 =	vld.idx.msk [tilespmem:v13+s11+$0x0], $0xffff  }
0x86: {  	v15 =	vld.idx.msk [tilespmem:v14+s26+$0x0], $0xffff;
	_ =	sdelay $0x2  }
0x87: {  	v16 =	vor.u32 $0x1, v13  }
0x88: {  	v17 =	vor.u32 v4, v12  }
0x89: {  	v11 =	vmul.f32 v15, v11;
	_ =	sdelay $0x1  }
0x8a: {  	[tilespmem:v14+s26+$0x0] =	vst.idx.msk $0xffff, v11  }
0x8b: {  	v11 =	vld.idx.msk [tilespmem:v16+s11+$0x0], $0xffff  }
0x8c: {  	v14 =	vld.idx.msk [tilespmem:v17+s26+$0x0], $0xffff;
	_ =	sdelay $0x2  }
0x8d: {  	v15 =	vor.u32 $0x2, v13  }
0x8e: {  	v59 =	vor.u32 v5, v12  }
0x8f: {  	v11 =	vmul.f32 v14, v11;
	_ =	sdelay $0x1  }
0x90: {  	[tilespmem:v17+s26+$0x0] =	vst.idx.msk $0xffff, v11  }
0x91: {  	v11 =	vld.idx.msk [tilespmem:v15+s11+$0x0], $0xffff  }
0x92: {  	v14 =	vld.idx.msk [tilespmem:v59+s26+$0x0], $0xffff;
	_ =	sdelay $0x2  }
0x93: {  	v15 =	vor.u32 $0x3, v13  }
0x94: {  	v60 =	vor.u32 v6, v12  }
0x95: {  	v11 =	vmul.f32 v14, v11;
	_ =	sdelay $0x1  }
0x96: {  	[tilespmem:v59+s26+$0x0] =	vst.idx.msk $0xffff, v11  }
0x97: {  	v11 =	vld.idx.msk [tilespmem:v15+s11+$0x0], $0xffff  }
0x98: {  	v14 =	vld.idx.msk [tilespmem:v60+s26+$0x0], $0xffff;
	_ =	sdelay $0x2  }
0x99: {  	v15 =	vor.u32 $0x4, v13  }
0x9a: {  	v61 =	vor.u32 v7, v12  }
0x9b: {  	v11 =	vmul.f32 v14, v11;
	_ =	sdelay $0x1  }
0x9c: {  	[tilespmem:v60+s26+$0x0] =	vst.idx.msk $0xffff, v11  }
0x9d: {  	v11 =	vld.idx.msk [tilespmem:v15+s11+$0x0], $0xffff  }
0x9e: {  	v14 =	vld.idx.msk [tilespmem:v61+s26+$0x0], $0xffff;
	_ =	sdelay $0x2  }
0x9f: {  	v15 =	vor.u32 $0x5, v13  }
0xa0: {  	v62 =	vor.u32 v8, v12  }
0xa1: {  	v11 =	vmul.f32 v14, v11;
	_ =	sdelay $0x1  }
0xa2: {  	[tilespmem:v61+s26+$0x0] =	vst.idx.msk $0xffff, v11  }
0xa3: {  	v11 =	vld.idx.msk [tilespmem:v15+s11+$0x0], $0xffff  }
0xa4: {  	v14 =	vld.idx.msk [tilespmem:v62+s26+$0x0], $0xffff;
	_ =	sdelay $0x2  }
0xa5: {  	v15 =	vor.u32 $0x6, v13  }
0xa6: {  	v63 =	vor.u32 v9, v12  }
0xa7: {  	v11 =	vmul.f32 v14, v11;
	_ =	sdelay $0x1  }
0xa8: {  	[tilespmem:v62+s26+$0x0] =	vst.idx.msk $0xffff, v11  }
0xa9: {  	v14 =	vld.idx.msk [tilespmem:v15+s11+$0x0], $0xffff  }
0xaa: {  	v15 =	vld.idx.msk [tilespmem:v63+s26+$0x0], $0xffff;
	_ =	sdelay $0x2  }
0xab: {  	v13 =	vor.u32 $0x7, v13  }
0xac: {  	v11 =	vor.u32 v10, v12  }
0xad: {  	v12 =	vmul.f32 v15, v14;
	_ =	sdelay $0x1  }
0xae: {  	[tilespmem:v63+s26+$0x0] =	vst.idx.msk $0xffff, v12  }
0xaf: {  	v12 =	vld.idx.msk [tilespmem:v13+s11+$0x0], $0xffff  }
0xb0: {  	s5 =	simm.s32 $0x1;
	v13 =	vld.idx.msk [tilespmem:v11+s26+$0x0], $0xffff  }
.LBB2_5:
0xb1: {  	p0 =	sne.s32 s5, $0x7F;
	s2 =	smov.u32 s5;
	s5 =	sadd.s32 $0x1, s5  }
0xb2: {  	_ = 	snop  }
0xb3: {  	v14 =	vmov s2  }
0xb4: {  	v15 =	vshll.u32 v14, $0x3;
	v14 =	vshll.u32 v14, $0x7  }
0xb5: {  	v16 =	vor.u32 v0, v14  }
0xb6: {  	v12 =	vmul.f32 v13, v12;
	_ =	sdelay $0x1  }
0xb7: {  	[tilespmem:v11+s26+$0x0] =	vst.idx.msk $0xffff, v12  }
0xb8: {  	v11 =	vld.idx.msk [tilespmem:v15+s11+$0x0], $0xffff  }
0xb9: {  	v12 =	vld.idx.msk [tilespmem:v16+s26+$0x0], $0xffff;
	_ =	sdelay $0x3  }
0xba: {  	v17 =	vor.u32 v4, v14;
	v13 =	vor.u32 $0x1, v15;
	_ =	sdelay $0x1  }
0xbb: {  	v11 =	vmul.f32 v12, v11;
	_ =	sdelay $0x1  }
0xbc: {  	[tilespmem:v16+s26+$0x0] =	vst.idx.msk $0xffff, v11  }
0xbd: {  	v11 =	vld.idx.msk [tilespmem:v13+s11+$0x0], $0xffff  }
0xbe: {  	v12 =	vld.idx.msk [tilespmem:v17+s26+$0x0], $0xffff;
	_ =	sdelay $0x3  }
0xbf: {  	v16 =	vor.u32 v5, v14;
	v13 =	vor.u32 $0x2, v15;
	_ =	sdelay $0x1  }
0xc0: {  	v11 =	vmul.f32 v12, v11;
	_ =	sdelay $0x1  }
0xc1: {  	[tilespmem:v17+s26+$0x0] =	vst.idx.msk $0xffff, v11  }
0xc2: {  	v11 =	vld.idx.msk [tilespmem:v13+s11+$0x0], $0xffff  }
0xc3: {  	v12 =	vld.idx.msk [tilespmem:v16+s26+$0x0], $0xffff;
	_ =	sdelay $0x3  }
0xc4: {  	v17 =	vor.u32 v6, v14;
	v13 =	vor.u32 $0x3, v15;
	_ =	sdelay $0x1  }
0xc5: {  	v11 =	vmul.f32 v12, v11;
	_ =	sdelay $0x1  }
0xc6: {  	[tilespmem:v16+s26+$0x0] =	vst.idx.msk $0xffff, v11  }
0xc7: {  	v11 =	vld.idx.msk [tilespmem:v13+s11+$0x0], $0xffff  }
0xc8: {  	v12 =	vld.idx.msk [tilespmem:v17+s26+$0x0], $0xffff;
	_ =	sdelay $0x3  }
0xc9: {  	v16 =	vor.u32 v7, v14;
	v13 =	vor.u32 $0x4, v15;
	_ =	sdelay $0x1  }
0xca: {  	v11 =	vmul.f32 v12, v11;
	_ =	sdelay $0x1  }
0xcb: {  	[tilespmem:v17+s26+$0x0] =	vst.idx.msk $0xffff, v11  }
0xcc: {  	v11 =	vld.idx.msk [tilespmem:v13+s11+$0x0], $0xffff  }
0xcd: {  	v12 =	vld.idx.msk [tilespmem:v16+s26+$0x0], $0xffff;
	_ =	sdelay $0x3  }
0xce: {  	v17 =	vor.u32 v8, v14;
	v13 =	vor.u32 $0x5, v15;
	_ =	sdelay $0x1  }
0xcf: {  	v11 =	vmul.f32 v12, v11;
	_ =	sdelay $0x1  }
0xd0: {  	[tilespmem:v16+s26+$0x0] =	vst.idx.msk $0xffff, v11  }
0xd1: {  	v11 =	vld.idx.msk [tilespmem:v13+s11+$0x0], $0xffff  }
0xd2: {  	v12 =	vld.idx.msk [tilespmem:v17+s26+$0x0], $0xffff;
	_ =	sdelay $0x3  }
0xd3: {  	v16 =	vor.u32 v9, v14;
	v13 =	vor.u32 $0x6, v15;
	_ =	sdelay $0x1  }
0xd4: {  	v11 =	vmul.f32 v12, v11;
	_ =	sdelay $0x1  }
0xd5: {  	[tilespmem:v17+s26+$0x0] =	vst.idx.msk $0xffff, v11  }
0xd6: {  	v12 =	vld.idx.msk [tilespmem:v13+s11+$0x0], $0xffff  }
0xd7: {  	v13 =	vld.idx.msk [tilespmem:v16+s26+$0x0], $0xffff;
	_ =	sdelay $0x3  }
0xd8: {  	v15 =	vor.u32 $0x7, v15;
	v11 =	vor.u32 v10, v14;
	_ =	sdelay $0x1  }
.Ltmp1:
0xd9: {  	v12 =	vmul.f32 v13, v12;
	(pc) =	sbr.rel @p0 .LBB2_5-.Ltmp1, $4  }
0xda: {  	_ = 	snop  }
0xdb: {  	[tilespmem:v16+s26+$0x0] =	vst.idx.msk $0xffff, v12  }
0xdc: {  	v12 =	vld.idx.msk [tilespmem:v15+s11+$0x0], $0xffff  }
0xdd: {  	v13 =	vld.idx.msk [tilespmem:v11+s26+$0x0], $0xffff  }
0xde: {  	_ =	sdelay $0x3  }
0xdf: {  	v12 =	vmul.f32 v13, v12;
	_ =	sdelay $0x1  }
0xe0: {  	[tilespmem:v11+s26+$0x0] =	vst.idx.msk $0xffff, v12  }
0xe1: {  	[spmem:s15] =	stream.indirect.scatter.add.f32 [tilespmem:s26], [sflag:$0x9], $0x80, s22, s23, $0xb8;
	[tilespmem:$0x1FE00] =	vst v63  }
0xe2: {  	_ =	swait.ge [sflag:s12], $0x400  }
0xe3: {  	p0 =	seq.s32 s20, $0x27;
	[sflag:s12] =	ssyncset.done $0x0  }
0xe4: {  	s2 =	sadd.s32 @!p0 s10, s16;
	[sflag:s12] =	ssyncadd.s32 $0xFFFFFC00  }
0xe5: {  	s2 =	sshll.u32 @!p0 s2, $0x4;
	_ =	swait.ge [sflag:s13], $0x4000  }
0xe6: {  	s2 =	sand.u32 @!p0 $0x1FFFFFE0, s2;
	[sflag:s13] =	ssyncset.done $0x0  }
0xe7: {  	s5 =	simm.s32 @!p0 $0x0;
	s3 =	sadd.s32 @!p0 s4, s2;
	[sflag:s13] =	ssyncadd.s32 $0xFFFFC000  }
0xe8: {  	[tilespmem:s5], [sflag:$0xB] =	stream.linear.gather @!p0 [hbm4b:s3+s5], $0x80, $0x38;
	[tilespmem:$0x1FE00] =	vst v63  }
0xe9: {  	s3 =	simm.s32 @!p0 $0xB  }
0xea: {  	_ =	swait.ge @!p0 [sflag:s3], $0x80  }
0xeb: {  	[sflag:s3] =	ssyncset.done @!p0 $0x0  }
0xec: {  	s10 =	simm.s32 @!p0 $0x100;
	s2 =	sadd.s32 @!p0 s6, s2;
	[sflag:s3] =	ssyncadd.s32 @!p0 $0xFFFFFF80  }
0xed: {  	[tilespmem:s10], [sflag:$0xB] =	stream.linear.gather @!p0 [hbm4b:s2+s5], $0x80, $0x38;
	[tilespmem:$0x1FE00] =	vst v63  }
0xee: {  	_ =	swait.ge @!p0 [sflag:s3], $0x80  }
0xef: {  	[sflag:s3] =	ssyncset.done @!p0 $0x0  }
0xf0: {  	s2 =	simm.s32 @!p0 $0x80;
	[sflag:s3] =	ssyncadd.s32 @!p0 $0xFFFFFF80;
	s3 =	simm.s32 @!p0 $0x200  }
0xf1: {  	[tilespmem:s3], [sflag:$0x1] =	stream.indirect.gather @!p0 [hbm4b:s7+s2], $0x10, s5, s2, $0xb8;
	[tilespmem:$0x1FE00] =	vst v63  }
0xf2: {  	s3 =	simm.s32 @!p0 $0x1200  }
0xf3: {  	[tilespmem:s3], [sflag:$0x3] =	stream.indirect.gather @!p0 [hbm4b:s7+s2], $0x10, s10, s2, $0xb8;
	[tilespmem:$0x1FE00] =	vst v63  }
0xf4: {  	s3 =	simm.s32 @!p0 $0x2A00  }
0xf5: {  	[tilespmem:s3], [sflag:$0x5] =	stream.indirect.gather @!p0 [hbm4b:s8+s2], $0x80, s5, s2, $0xb8;
	[tilespmem:$0x1FE00] =	vst v63  }
0xf6: {  	_ =	swait.ge [sflag:s14], $0x800  }
0xf7: {  	s5 =	simm.s32 $0x0;
	[sflag:s14] =	ssyncset.done $0x0  }
0xf8: {  	v12 =	vor.u32 s5, v1;
	[sflag:s14] =	ssyncadd.s32 $0xFFFFF800  }
0xf9: {  	v11 =	vshll.u32 v12, $0x4;
	_ =	swait.ge [sflag:s17], $0x800  }
0xfa: {  	v13 =	vor.u32 v3, v11;
	[sflag:s17] =	ssyncset.done $0x0  }
0xfb: {  	v11 =	vor.u32 v2, v11;
	[sflag:s17] =	ssyncadd.s32 $0xFFFFF800  }
0xfc: {  	_ =	swait.ge [sflag:s18], $0x4000  }
0xfd: {  	[sflag:s18] =	ssyncset.done $0x0  }
0xfe: {  	[sflag:s18] =	ssyncadd.s32 $0xFFFFC000  }
0xff: {  	v13 =	vld.idx.msk [tilespmem:v13+s30+$0x0], $0xffff  }
0x100: {  	v11 =	vld.idx.msk [tilespmem:v11+s29+$0x0], $0xffff;
	_ =	sdelay $0x4  }
0x101: {  	v11 =	vadd.f32 v13, v11;
	_ =	sdelay $0x1  }
0x102: {  	v13 =	vmul.f32 $2.000000030e-01, v11  }
0x103: {  	vm0 =	vge.f32 v11, $0.0e+00  }
0x104: {  	v11 =	vsel vm0, v11, v13  }
0x105: {  	v13 =	vmul.f32 $1.442695020e+00, v11;
	_ =	sdelay $0x1  }
0x106: {  	(erf) = vpow2.f32 v13;
	_ =	sdelay $0x2  }
0x107: {  	s10 =	simm.s32 $0x2  }
0x108: {  	v12 =	vshll.u32 v12, $0x3;
	v11 =	vor.u32 s10, v1  }
0x109: {  	s5 =	simm.s32 $0x4;
	v12 =	vor.u32 v2, v12;
	v13 =	vshll.u32 v11, $0x4  }
.LBB2_7:
0x10a: {  	p0 =	sne.s32 s5, $0x7E;
	v14 =	vor.u32 v3, v13  }
0x10b: {  	v13 =	vor.u32 v2, v13;
	_ =	sdelay $0x1  }
0x10c: {  	v15 =	vpop (erf)  }
0x10d: {  	[tilespmem:v12+s19+$0x0] =	vst.idx.msk $0xffff, v15  }
0x10e: {  	v12 =	vld.idx.msk [tilespmem:v14+s30+$0x0], $0xffff  }
0x10f: {  	v13 =	vld.idx.msk [tilespmem:v13+s29+$0x0], $0xffff;
	_ =	sdelay $0x5  }
0x110: {  	v12 =	vadd.f32 v12, v13;
	_ =	sdelay $0x1  }
0x111: {  	v13 =	vmul.f32 $2.000000030e-01, v12  }
0x112: {  	vm0 =	vge.f32 v12, $0.0e+00  }
0x113: {  	v12 =	vsel vm0, v12, v13  }
0x114: {  	v12 =	vmul.f32 $1.442695020e+00, v12;
	_ =	sdelay $0x1  }
0x115: {  	(erf) = vpow2.f32 v12  }
.Ltmp2:
0x116: {  	(pc) =	sbr.rel @p0 .LBB2_7-.Ltmp2, $3  }
0x117: {  	_ =	sdelay $0x1  }
0x118: {  	v12 =	vshll.u32 v11, $0x3;
	v11 =	vor.u32 s5, v1  }
0x119: {  	s5 =	sadd.s32 $0x2, s5;
	v13 =	vshll.u32 v11, $0x4;
	v12 =	vor.u32 v2, v12  }
0x11a: {  	v14 =	vor.u32 v3, v13  }
0x11b: {  	v13 =	vor.u32 v2, v13;
	_ =	sdelay $0x1  }
0x11c: {  	v15 =	vpop (erf)  }
0x11d: {  	[tilespmem:v12+s19+$0x0] =	vst.idx.msk $0xffff, v15  }
0x11e: {  	v12 =	vld.idx.msk [tilespmem:v14+s30+$0x0], $0xffff  }
0x11f: {  	v13 =	vld.idx.msk [tilespmem:v13+s29+$0x0], $0xffff;
	_ =	sdelay $0x4  }
0x120: {  	v12 =	vadd.f32 v12, v13;
	_ =	sdelay $0x1  }
0x121: {  	v13 =	vmul.f32 $2.000000030e-01, v12  }
0x122: {  	vm0 =	vge.f32 v12, $0.0e+00  }
0x123: {  	v12 =	vsel vm0, v12, v13  }
0x124: {  	v12 =	vmul.f32 $1.442695020e+00, v12;
	_ =	sdelay $0x1  }
0x125: {  	(erf) = vpow2.f32 v12;
	_ =	sdelay $0x3  }
0x126: {  	v11 =	vshll.u32 v11, $0x3  }
0x127: {  	s2 =	simm.s32 $0x0;
	v11 =	vor.u32 v2, v11  }
0x128: {  	v12 =	vmov s2  }
0x129: {  	v13 =	vshll.u32 v12, $0x3;
	v12 =	vshll.u32 v12, $0x7  }
0x12a: {  	v14 =	vor.u32 v0, v12  }
0x12b: {  	v15 =	vpop (erf)  }
0x12c: {  	s10 =	rddreg [dreg:$0x2];
	[tilespmem:v11+s19+$0x0] =	vst.idx.msk $0xffff, v15  }
0x12d: {  	[spmem:s10] =	stream.indirect.scatter.add.f32 [tilespmem:s19], [sflag:$0x8], $0x8, s28, s23, $0xb8;
	[tilespmem:$0x1FE00] =	vst v63  }
0x12e: {  	v11 =	vld.idx.msk [tilespmem:v13+s19+$0x0], $0xffff  }
0x12f: {  	v15 =	vld.idx.msk [tilespmem:v14+s31+$0x0], $0xffff;
	_ =	sdelay $0x2  }
0x130: {  	v16 =	vor.u32 $0x1, v13  }
0x131: {  	v17 =	vor.u32 v4, v12  }
0x132: {  	v11 =	vmul.f32 v15, v11;
	_ =	sdelay $0x1  }
0x133: {  	[tilespmem:v14+s31+$0x0] =	vst.idx.msk $0xffff, v11  }
0x134: {  	v11 =	vld.idx.msk [tilespmem:v16+s19+$0x0], $0xffff  }
0x135: {  	v14 =	vld.idx.msk [tilespmem:v17+s31+$0x0], $0xffff;
	_ =	sdelay $0x2  }
0x136: {  	v15 =	vor.u32 $0x2, v13  }
0x137: {  	v59 =	vor.u32 v5, v12  }
0x138: {  	v11 =	vmul.f32 v14, v11;
	_ =	sdelay $0x1  }
0x139: {  	[tilespmem:v17+s31+$0x0] =	vst.idx.msk $0xffff, v11  }
0x13a: {  	v11 =	vld.idx.msk [tilespmem:v15+s19+$0x0], $0xffff  }
0x13b: {  	v14 =	vld.idx.msk [tilespmem:v59+s31+$0x0], $0xffff;
	_ =	sdelay $0x2  }
0x13c: {  	v15 =	vor.u32 $0x3, v13  }
0x13d: {  	v60 =	vor.u32 v6, v12  }
0x13e: {  	v11 =	vmul.f32 v14, v11;
	_ =	sdelay $0x1  }
0x13f: {  	[tilespmem:v59+s31+$0x0] =	vst.idx.msk $0xffff, v11  }
0x140: {  	v11 =	vld.idx.msk [tilespmem:v15+s19+$0x0], $0xffff  }
0x141: {  	v14 =	vld.idx.msk [tilespmem:v60+s31+$0x0], $0xffff;
	_ =	sdelay $0x2  }
0x142: {  	v15 =	vor.u32 $0x4, v13  }
0x143: {  	v61 =	vor.u32 v7, v12  }
0x144: {  	v11 =	vmul.f32 v14, v11;
	_ =	sdelay $0x1  }
0x145: {  	[tilespmem:v60+s31+$0x0] =	vst.idx.msk $0xffff, v11  }
0x146: {  	v11 =	vld.idx.msk [tilespmem:v15+s19+$0x0], $0xffff  }
0x147: {  	v14 =	vld.idx.msk [tilespmem:v61+s31+$0x0], $0xffff;
	_ =	sdelay $0x2  }
0x148: {  	v15 =	vor.u32 $0x5, v13  }
0x149: {  	v62 =	vor.u32 v8, v12  }
0x14a: {  	v11 =	vmul.f32 v14, v11;
	_ =	sdelay $0x1  }
0x14b: {  	[tilespmem:v61+s31+$0x0] =	vst.idx.msk $0xffff, v11  }
0x14c: {  	v11 =	vld.idx.msk [tilespmem:v15+s19+$0x0], $0xffff  }
0x14d: {  	v14 =	vld.idx.msk [tilespmem:v62+s31+$0x0], $0xffff;
	_ =	sdelay $0x2  }
0x14e: {  	v15 =	vor.u32 $0x6, v13  }
0x14f: {  	v63 =	vor.u32 v9, v12  }
0x150: {  	v11 =	vmul.f32 v14, v11;
	_ =	sdelay $0x1  }
0x151: {  	[tilespmem:v62+s31+$0x0] =	vst.idx.msk $0xffff, v11  }
0x152: {  	v14 =	vld.idx.msk [tilespmem:v15+s19+$0x0], $0xffff  }
0x153: {  	v15 =	vld.idx.msk [tilespmem:v63+s31+$0x0], $0xffff;
	_ =	sdelay $0x2  }
0x154: {  	v13 =	vor.u32 $0x7, v13  }
0x155: {  	v11 =	vor.u32 v10, v12  }
0x156: {  	v12 =	vmul.f32 v15, v14;
	_ =	sdelay $0x1  }
0x157: {  	[tilespmem:v63+s31+$0x0] =	vst.idx.msk $0xffff, v12  }
0x158: {  	v12 =	vld.idx.msk [tilespmem:v13+s19+$0x0], $0xffff  }
0x159: {  	s5 =	simm.s32 $0x1;
	v13 =	vld.idx.msk [tilespmem:v11+s31+$0x0], $0xffff  }
.LBB2_9:
0x15a: {  	p0 =	sne.s32 s5, $0x7F;
	s2 =	smov.u32 s5;
	s5 =	sadd.s32 $0x1, s5  }
0x15b: {  	_ = 	snop  }
0x15c: {  	v14 =	vmov s2  }
0x15d: {  	v15 =	vshll.u32 v14, $0x3;
	v14 =	vshll.u32 v14, $0x7  }
0x15e: {  	v16 =	vor.u32 v0, v14  }
0x15f: {  	v12 =	vmul.f32 v13, v12;
	_ =	sdelay $0x1  }
0x160: {  	[tilespmem:v11+s31+$0x0] =	vst.idx.msk $0xffff, v12  }
0x161: {  	v11 =	vld.idx.msk [tilespmem:v15+s19+$0x0], $0xffff  }
0x162: {  	v12 =	vld.idx.msk [tilespmem:v16+s31+$0x0], $0xffff;
	_ =	sdelay $0x3  }
0x163: {  	v17 =	vor.u32 v4, v14;
	v13 =	vor.u32 $0x1, v15;
	_ =	sdelay $0x1  }
0x164: {  	v11 =	vmul.f32 v12, v11;
	_ =	sdelay $0x1  }
0x165: {  	[tilespmem:v16+s31+$0x0] =	vst.idx.msk $0xffff, v11  }
0x166: {  	v11 =	vld.idx.msk [tilespmem:v13+s19+$0x0], $0xffff  }
0x167: {  	v12 =	vld.idx.msk [tilespmem:v17+s31+$0x0], $0xffff;
	_ =	sdelay $0x3  }
0x168: {  	v16 =	vor.u32 v5, v14;
	v13 =	vor.u32 $0x2, v15;
	_ =	sdelay $0x1  }
0x169: {  	v11 =	vmul.f32 v12, v11;
	_ =	sdelay $0x1  }
0x16a: {  	[tilespmem:v17+s31+$0x0] =	vst.idx.msk $0xffff, v11  }
0x16b: {  	v11 =	vld.idx.msk [tilespmem:v13+s19+$0x0], $0xffff  }
0x16c: {  	v12 =	vld.idx.msk [tilespmem:v16+s31+$0x0], $0xffff;
	_ =	sdelay $0x3  }
0x16d: {  	v17 =	vor.u32 v6, v14;
	v13 =	vor.u32 $0x3, v15;
	_ =	sdelay $0x1  }
0x16e: {  	v11 =	vmul.f32 v12, v11;
	_ =	sdelay $0x1  }
0x16f: {  	[tilespmem:v16+s31+$0x0] =	vst.idx.msk $0xffff, v11  }
0x170: {  	v11 =	vld.idx.msk [tilespmem:v13+s19+$0x0], $0xffff  }
0x171: {  	v12 =	vld.idx.msk [tilespmem:v17+s31+$0x0], $0xffff;
	_ =	sdelay $0x3  }
0x172: {  	v16 =	vor.u32 v7, v14;
	v13 =	vor.u32 $0x4, v15;
	_ =	sdelay $0x1  }
0x173: {  	v11 =	vmul.f32 v12, v11;
	_ =	sdelay $0x1  }
0x174: {  	[tilespmem:v17+s31+$0x0] =	vst.idx.msk $0xffff, v11  }
0x175: {  	v11 =	vld.idx.msk [tilespmem:v13+s19+$0x0], $0xffff  }
0x176: {  	v12 =	vld.idx.msk [tilespmem:v16+s31+$0x0], $0xffff;
	_ =	sdelay $0x3  }
0x177: {  	v17 =	vor.u32 v8, v14;
	v13 =	vor.u32 $0x5, v15;
	_ =	sdelay $0x1  }
0x178: {  	v11 =	vmul.f32 v12, v11;
	_ =	sdelay $0x1  }
0x179: {  	[tilespmem:v16+s31+$0x0] =	vst.idx.msk $0xffff, v11  }
0x17a: {  	v11 =	vld.idx.msk [tilespmem:v13+s19+$0x0], $0xffff  }
0x17b: {  	v12 =	vld.idx.msk [tilespmem:v17+s31+$0x0], $0xffff;
	_ =	sdelay $0x3  }
0x17c: {  	v16 =	vor.u32 v9, v14;
	v13 =	vor.u32 $0x6, v15;
	_ =	sdelay $0x1  }
0x17d: {  	v11 =	vmul.f32 v12, v11;
	_ =	sdelay $0x1  }
0x17e: {  	[tilespmem:v17+s31+$0x0] =	vst.idx.msk $0xffff, v11  }
0x17f: {  	v12 =	vld.idx.msk [tilespmem:v13+s19+$0x0], $0xffff  }
0x180: {  	v13 =	vld.idx.msk [tilespmem:v16+s31+$0x0], $0xffff;
	_ =	sdelay $0x3  }
0x181: {  	v15 =	vor.u32 $0x7, v15;
	v11 =	vor.u32 v10, v14;
	_ =	sdelay $0x1  }
.Ltmp3:
0x182: {  	v12 =	vmul.f32 v13, v12;
	(pc) =	sbr.rel @p0 .LBB2_9-.Ltmp3, $4  }
0x183: {  	_ = 	snop  }
0x184: {  	[tilespmem:v16+s31+$0x0] =	vst.idx.msk $0xffff, v12  }
0x185: {  	v12 =	vld.idx.msk [tilespmem:v15+s19+$0x0], $0xffff  }
0x186: {  	v13 =	vld.idx.msk [tilespmem:v11+s31+$0x0], $0xffff  }
0x187: {  	_ = 	snop  }
0x188: {  	s20 =	sadd.s32 $0x1, s20  }
0x189: {  	p0 =	sne.s32 s20, $0x28  }
.Ltmp4:
0x18a: {  	_ = 	snop;
	(pc) =	sbr.rel @p0 .LBB2_2-.Ltmp4, $3  }
0x18b: {  	v12 =	vmul.f32 v13, v12;
	_ =	sdelay $0x1  }
0x18c: {  	[tilespmem:v11+s31+$0x0] =	vst.idx.msk $0xffff, v12  }
0x18d: {  	[spmem:s15] =	stream.indirect.scatter.add.f32 [tilespmem:s31], [sflag:$0xA], $0x80, s28, s23, $0xb8;
	[tilespmem:$0x1FE00] =	vst v63  }
0x18e: {  	s2 =	simm.s32 $0x8  }
0x18f: {  	_ =	swait.ge [sflag:s2], $0x400  }
0x190: {  	[sflag:s2] =	ssyncset.done $0x0  }
0x191: {  	s3 =	simm.s32 $0xA;
	[sflag:s2] =	ssyncadd.s32 $0xFFFFFC00  }
0x192: {  	_ =	swait.ge [sflag:s3], $0x4000  }
0x193: {  	[sflag:s3] =	ssyncset.done $0x0  }
0x194: {  	[sflag:s3] =	ssyncadd.s32 $0xFFFFC000  }
0x195: {  	[bflag:$0x0] =	sbarrier.arrive $0xFFFF  }
0x196: {  	s20 =	rddreg [dreg:$0x6]  }
0x197: {  	s5 =	rddreg [dreg:$0xc]  }
0x198: {  	s3 =	rddreg [dreg:$0xf]  }
0x199: {  	[hbm:s5], [sflag:s20] =	dma.local [spmem:s3], $0x280  }
0x19a: {  	_ =	swait.ge [sflag:s21], $0x280  }
0x19b: {  	[sflag:s21] =	ssyncset.done $0x0;
	s10 =	rddreg [dreg:$0xd]  }
0x19c: {  	s5 =	rddreg [dreg:$0x11];
	[sflag:s21] =	ssyncadd.s32 $0xFFFFFD80  }
0x19d: {  	[hbm:s10], [sflag:s20] =	dma.local [spmem:s5], $0x2800  }
0x19e: {  	_ =	swait.ge [sflag:s21], $0x2800  }
0x19f: {  	s2 =	rddreg [dreg:$0x10]  }
0x1a0: {  	s10 =	rddreg [dreg:$0xe];
	s5 =	sadd.s32 $0x1, s2  }
0x1a1: {  	p0 =	sne.s32 s5, s10  }
.Ltmp5:
0x1a2: {  	_ = 	snop;
	(pc) =	sbr.rel @p0 .LBB2_1-.Ltmp5, $3  }
0x1a3: {  	_ =	sdelay $0x1  }
0x1a4: {  	[sflag:s21] =	ssyncset.done $0x0  }
0x1a5: {  	[sflag:s21] =	ssyncadd.s32 $0xFFFFD800  }
0x1a6: {  	_ =	sfence.sel $0x180000  }
0x1a7: {  	[bflag:$0x0] =	sbarrier.arrive $0xFFFF  }
0x1a8: {  	_ =	strace $0x90000047  }
0x1a9: {  	s0 =	stileid.u32;
	[bflag:$0x2] =	sbarrier.arrive $0xFFFF  }
0x1aa: {  	p0 =	sne.s32 s0, $0x0;
	s0 =	rddreg [dreg:$0x4]  }
0x1ab: {  	s0 =	sadd.s32 @!p0 $0x100000, s0  }
0x1ac: {  	[sflag:s0] =	ssyncadd.tile.s32 @!p0 $0x1;
	_ =	shalt  }
.Lfunc_end2:
_tile_overlayer_lowered:
.L_overlay_start_2:
0x1ad: {  	(tag) =	ssettag $0x2  }
0x1ae: {  	s0 =	rddreg [dreg:$0x0];
	s2 =	stileid.u32  }
0x1af: {  	s1 =	rddreg [dreg:$0x1];
	p0 =	sne.s32 s2, $0x0  }
0x1b0: {  	s3 =	rddreg [dreg:$0x2];
	[bflag:$0x3] =	sbarrier.arrive $0xFFFF;
	s2 =	simm.s32 @!p0 $0x1C0B  }
0x1b1: {  	[timem:s3], [sflag:s2] =	dma.local @!p0 [hbm:s0], s1  }
0x1b2: {  	s0 =	simm.s32 @!p0 $0xB  }
0x1b3: {  	_ =	swait.ge @!p0 [sflag:s0], s1  }
0x1b4: {  	s1 =	ssub.s32 @!p0 $0x0, s1;
	[sflag:s0] =	ssyncset.done @!p0 $0x0  }
0x1b5: {  	[sflag:s0] =	ssyncadd.s32 @!p0 s1  }
0x1b6: {  	[bflag:$0x3] =	sbarrier.arrive $0xFFFF  }
0x1b7: {  	_ =	shalt  }

</sc_bundles>
